<compile_context>
chip_gen: v7x
topology: tpu7x:2x2x1
jax: 0.10.2.dev20260603
libtpu: 0.0.44.dev20260713+nightly
codegen_flags: <defaults>
</compile_context>

<pallas_src>
import functools

import jax
import jax.numpy as jnp
from jax.experimental import pallas as pl


def _pool_body(lst_ref, gui_ref, out_ref):
    i = pl.program_id(0)

    @pl.when(i == 0)
    def _():
        out_ref[...] = jnp.zeros_like(out_ref)

    s_l = jnp.sum(lst_ref[...], axis=1, keepdims=True)
    s_g = jnp.sum(gui_ref[...], axis=1, keepdims=True)
    out_ref[...] += jnp.concatenate([s_l, s_g], axis=1)


def _select_body(sums_ref, mask_ref, fc1_w_ref, fc1_b_ref, fc2_w_ref,
                 fc2_b_ref, se1_w_ref, se1_b_ref, se2_w_ref, se2_b_ref,
                 conv1_w_ref, conv1_b_ref, conv2_w_ref, conv2_b_ref,
                 b_lst_ref, b_gui_ref, vec_ref, *, hw, k):
    c = fc1_w_ref.shape[0]
    hid = jax.nn.relu(
        jnp.dot(fc1_w_ref[...], mask_ref[...],
                preferred_element_type=jnp.float32) + fc1_b_ref[...])
    mask1 = jax.nn.sigmoid(
        jnp.dot(fc2_w_ref[...], hid,
                preferred_element_type=jnp.float32) + fc2_b_ref[...])
    pooled = jnp.concatenate(
        [sums_ref[:, 0:1], sums_ref[:, 1:2]], axis=0) * (1.0 / hw)
    se_h = jax.nn.relu(
        jnp.dot(se1_w_ref[...], pooled,
                preferred_element_type=jnp.float32) + se1_b_ref[...])
    mask2 = jax.nn.sigmoid(
        jnp.dot(se2_w_ref[...], se_h,
                preferred_element_type=jnp.float32) + se2_b_ref[...])
    m = mask1 * mask2

    mm = jnp.broadcast_to(m, (c, c))
    mt = mm.T
    ii = jax.lax.broadcasted_iota(jnp.int32, (c, c), 0)
    jj = jax.lax.broadcasted_iota(jnp.int32, (c, c), 1)
    beats = (mt > mm) | ((mt == mm) & (jj < ii))
    rank = jnp.sum(beats.astype(jnp.float32), axis=1, keepdims=True)
    sel = (rank < k).astype(jnp.float32)

    lower = (jj < ii).astype(jnp.float32)
    pos = jnp.dot(lower, sel, preferred_element_type=jnp.float32,
                  precision=jax.lax.Precision.HIGHEST)
    oo = jax.lax.broadcasted_iota(jnp.int32, (c, k), 1).astype(jnp.float32)
    scat = sel * (pos == oo).astype(jnp.float32)

    def mix(conv_w, conv_b):
        hi = jax.lax.Precision.HIGHEST
        t = jnp.dot(scat, conv_w, preferred_element_type=jnp.float32,
                    precision=hi)
        b = jax.lax.dot_general(t, scat, (((1,), (1,)), ((), ())),
                                preferred_element_type=jnp.float32,
                                precision=hi)
        bias = jnp.dot(scat, conv_b, preferred_element_type=jnp.float32,
                       precision=hi)
        return b, bias

    b_lst, bias_lst = mix(conv2_w_ref[...], conv2_b_ref[...])
    b_gui, bias_gui = mix(conv1_w_ref[...], conv1_b_ref[...])
    b_lst_ref[...] = b_lst
    b_gui_ref[...] = b_gui
    vec_ref[...] = jnp.concatenate(
        [m, 1.0 - sel, bias_lst, bias_gui], axis=1)


def _transform_body(lst_ref, gui_ref, b_lst_ref, b_gui_ref, vec_ref,
                    out_lst_ref, out_gui_ref):
    notsel = vec_ref[:, 1:2]
    bias_lst = vec_ref[:, 2:3]
    bias_gui = vec_ref[:, 3:4]
    lst_t = lst_ref[...]
    gui_t = gui_ref[...]
    out_lst_ref[...] = (notsel * lst_t + bias_lst +
                        jnp.dot(b_lst_ref[...], gui_t,
                                preferred_element_type=jnp.float32))
    out_gui_ref[...] = (notsel * gui_t + bias_gui +
                        jnp.dot(b_gui_ref[...], lst_t,
                                preferred_element_type=jnp.float32))


def kernel(lst, gui, mask, fc1_w, fc1_b, fc2_w, fc2_b, se1_w, se1_b,
           se2_w, se2_b, conv1_w, conv1_b, conv2_w, conv2_b):
    n, c, h, w = lst.shape
    hw = h * w
    k = c // 2
    lst2 = lst.reshape(c, hw)
    gui2 = gui.reshape(c, hw)

    tile = min(4096, hw)
    grid = hw // tile

    sums = pl.pallas_call(
        _pool_body,
        grid=(grid,),
        in_specs=[
            pl.BlockSpec((c, tile), lambda i: (0, i)),
            pl.BlockSpec((c, tile), lambda i: (0, i)),
        ],
        out_specs=pl.BlockSpec((c, 2), lambda i: (0, 0)),
        out_shape=jax.ShapeDtypeStruct((c, 2), jnp.float32),
    )(lst2, gui2)

    cr = se1_w.shape[0]
    full = lambda s: pl.BlockSpec(s, lambda: (0,) * len(s))
    b_lst, b_gui, vec = pl.pallas_call(
        functools.partial(_select_body, hw=float(hw), k=k),
        grid=(),
        in_specs=[full((c, 2)), full((mask.shape[1], 1)),
                  full((c, mask.shape[1])), full((c, 1)),
                  full((c, c)), full((c, 1)),
                  full((cr, 2 * c)), full((cr, 1)),
                  full((c, cr)), full((c, 1)),
                  full((k, k)), full((k, 1)),
                  full((k, k)), full((k, 1))],
        out_specs=[full((c, c)), full((c, c)), full((c, 4))],
        out_shape=[jax.ShapeDtypeStruct((c, c), jnp.float32),
                   jax.ShapeDtypeStruct((c, c), jnp.float32),
                   jax.ShapeDtypeStruct((c, 4), jnp.float32)],
    )(sums, mask.reshape(mask.shape[1], 1),
      fc1_w, fc1_b.reshape(c, 1), fc2_w, fc2_b.reshape(c, 1),
      se1_w, se1_b.reshape(cr, 1), se2_w, se2_b.reshape(c, 1),
      conv1_w, conv1_b.reshape(k, 1), conv2_w, conv2_b.reshape(k, 1))

    out_lst2, out_gui2 = pl.pallas_call(
        _transform_body,
        grid=(grid,),
        in_specs=[
            pl.BlockSpec((c, tile), lambda i: (0, i)),
            pl.BlockSpec((c, tile), lambda i: (0, i)),
            pl.BlockSpec((c, c), lambda i: (0, 0)),
            pl.BlockSpec((c, c), lambda i: (0, 0)),
            pl.BlockSpec((c, 4), lambda i: (0, 0)),
        ],
        out_specs=[
            pl.BlockSpec((c, tile), lambda i: (0, i)),
            pl.BlockSpec((c, tile), lambda i: (0, i)),
        ],
        out_shape=[jax.ShapeDtypeStruct((c, hw), jnp.float32),
                   jax.ShapeDtypeStruct((c, hw), jnp.float32)],
    )(lst2, gui2, b_lst, b_gui, vec)

    m_out = vec[:, 0].reshape(n, c)
    return (out_lst2.reshape(n, c, h, w), out_gui2.reshape(n, c, h, w),
            m_out)

# --- scband reference (transcript-rebuilt; emitter-appended) ---
"""Pipeline reference for scband-dynamic-channel-exchange-with-se-58634893525151 (READ-ONLY COPY).

The authoritative reference and input builder live on the scoring server;
editing this copy changes nothing except your own understanding.
"""

import jax, jax.numpy as jnp
import numpy as np

DIM = 96
MASK_INDIM = 128
N, H, W = 1, 512, 512
SE_RED = 16

def setup_inputs(seed: int = 0):
    key = jax.random.key(seed)
    ks = jax.random.split(key, 12)
    d = DIM
    h2 = d // 2
    c2 = 2 * d
    s = 0.05
    inp = {}
    inp["lst"] = jax.random.normal(ks[0], (N, d, H, W), dtype=jnp.float32)
    inp["gui"] = jax.random.normal(ks[1], (N, d, H, W), dtype=jnp.float32)
    inp["mask"] = jax.random.normal(ks[2], (N, MASK_INDIM), dtype=jnp.float32)
    inp["fc1_w"] = jax.random.normal(ks[3], (d, MASK_INDIM), dtype=jnp.float32) * s
    inp["fc1_b"] = jnp.zeros((d,), dtype=jnp.float32)
    inp["fc2_w"] = jax.random.normal(ks[4], (d, d), dtype=jnp.float32) * s
    inp["fc2_b"] = jnp.zeros((d,), dtype=jnp.float32)
    inp["se1_w"] = jax.random.normal(ks[5], (c2 // SE_RED, c2), dtype=jnp.float32) * s
    inp["se1_b"] = jnp.zeros((c2 // SE_RED,), dtype=jnp.float32)
    inp["se2_w"] = jax.random.normal(ks[6], (d, c2 // SE_RED), dtype=jnp.float32) * s
    inp["se2_b"] = jnp.zeros((d,), dtype=jnp.float32)
    inp["conv1_w"] = jax.random.normal(ks[7], (h2, h2), dtype=jnp.float32) * s
    inp["conv1_b"] = jnp.zeros((h2,), dtype=jnp.float32)
    inp["conv2_w"] = jax.random.normal(ks[8], (h2, h2), dtype=jnp.float32) * s
    inp["conv2_b"] = jnp.zeros((h2,), dtype=jnp.float32)
    return inp

def reference(lst, gui, mask, fc1_w, fc1_b, fc2_w, fc2_b, se1_w, se1_b, se2_w, se2_b, conv1_w, conv1_b, conv2_w, conv2_b):
    n, c, h, w = lst.shape
    # FCNet mask encoder (2-layer MLP) + sigmoid
    hid = jax.nn.relu(mask @ fc1_w.T + fc1_b)
    mask1 = jax.nn.sigmoid(hid @ fc2_w.T + fc2_b)
    # SE channel attention over concat([lst, gui]) -> per-channel weights of size dim
    cat = jnp.concatenate([lst, gui], axis=1)
    pooled = jnp.mean(cat, axis=(2, 3))
    se_h = jax.nn.relu(pooled @ se1_w.T + se1_b)
    mask2 = jax.nn.sigmoid(se_h @ se2_w.T + se2_b)
    m = mask1 * mask2
    k = c // 2
    _, topk_idx = jax.lax.top_k(m, k)
    # boolean-mask indexing in torch selects channels in ascending index order
    idx = jnp.sort(topk_idx, axis=1)
    rows = jnp.arange(n)[:, None]
    sel_gui = jax.vmap(lambda g, i: jnp.take(g, i, axis=0))(gui, idx)
    sel_lst = jax.vmap(lambda g, i: jnp.take(g, i, axis=0))(lst, idx)
    # 1x1 convs on the selected (dim//2) channels, unbatched as in the torch code (requires N=1)
    conv2_out = jnp.einsum('oi,nihw->nohw', conv2_w, sel_gui) + conv2_b[None, :, None, None]
    conv1_out = jnp.einsum('oi,nihw->nohw', conv1_w, sel_lst) + conv1_b[None, :, None, None]
    out_lst = lst.at[rows, idx].set(conv2_out)
    out_gui = gui.at[rows, idx].set(conv1_out)
    return out_lst, out_gui, m

if __name__ == "__main__":
    import jax
    _d = setup_inputs()
    print(jax.jit(kernel)(*tuple(_d.values())))

</pallas_src>

<mosaic_0001>
module attributes {stable_mosaic.version = 14 : i64} {
  func.func @_select_body(%arg0: memref<96x2xf32, #tpu.memory_space<vmem>>, %arg1: memref<128x1xf32, #tpu.memory_space<vmem>>, %arg2: memref<96x128xf32, #tpu.memory_space<vmem>>, %arg3: memref<96x1xf32, #tpu.memory_space<vmem>>, %arg4: memref<96x96xf32, #tpu.memory_space<vmem>>, %arg5: memref<96x1xf32, #tpu.memory_space<vmem>>, %arg6: memref<12x192xf32, #tpu.memory_space<vmem>>, %arg7: memref<12x1xf32, #tpu.memory_space<vmem>>, %arg8: memref<96x12xf32, #tpu.memory_space<vmem>>, %arg9: memref<96x1xf32, #tpu.memory_space<vmem>>, %arg10: memref<48x48xf32, #tpu.memory_space<vmem>>, %arg11: memref<48x1xf32, #tpu.memory_space<vmem>>, %arg12: memref<48x48xf32, #tpu.memory_space<vmem>>, %arg13: memref<48x1xf32, #tpu.memory_space<vmem>>, %arg14: memref<96x96xf32, #tpu.memory_space<vmem>>, %arg15: memref<96x96xf32, #tpu.memory_space<vmem>>, %arg16: memref<96x4xf32, #tpu.memory_space<vmem>>) attributes {dimension_semantics = [], scalar_prefetch = 0 : i64, scratch_operands = 0 : i64, tpu.core_type = #tpu.core_type<tc>} {
    %get3A = arith.constant 0 : index
    %get3A_0 = arith.constant 0 : index
    %get3A_1 = vector.load %arg2[%get3A, %get3A_0] : memref<96x128xf32, #tpu.memory_space<vmem>>, vector<96x128xf32>
    %get3A_2 = arith.constant 0 : index
    %get3A_3 = arith.constant 0 : index
    %get3A_4 = vector.load %arg1[%get3A_2, %get3A_3] : memref<128x1xf32, #tpu.memory_space<vmem>>, vector<128x1xf32>
    %dot_general3A = arith.constant dense<0.000000e+00> : vector<96x1xf32>
    %dot_general3A_5 = tpu.matmul %get3A_1, %get3A_4, %dot_general3A {dimension_numbers = #tpu.dot_dimension_numbers<[1], [0], [0], [1], [0, 0, 1, 1], [], []>, transpose_lhs_hint = false} : vector<96x128xf32>, vector<128x1xf32>, vector<96x1xf32> -> vector<96x1xf32>
    %get3A_6 = arith.constant 0 : index
    %get3A_7 = arith.constant 0 : index
    %get3A_8 = vector.load %arg3[%get3A_6, %get3A_7] : memref<96x1xf32, #tpu.memory_space<vmem>>, vector<96x1xf32>
    %add3A = arith.addf %dot_general3A_5, %get3A_8 : vector<96x1xf32>
    %max3A = arith.constant 0.000000e+00 : f32
    %max3A_9 = vector.broadcast %max3A : f32 to vector<96x1xf32>
    %max3A_10 = arith.maximumf %add3A, %max3A_9 : vector<96x1xf32>
    %get3A_11 = arith.constant 0 : index
    %get3A_12 = arith.constant 0 : index
    %get3A_13 = vector.load %arg4[%get3A_11, %get3A_12] : memref<96x96xf32, #tpu.memory_space<vmem>>, vector<96x96xf32>
    %dot_general3A_14 = arith.constant dense<0.000000e+00> : vector<96x1xf32>
    %dot_general3A_15 = tpu.matmul %get3A_13, %max3A_10, %dot_general3A_14 {dimension_numbers = #tpu.dot_dimension_numbers<[1], [0], [0], [1], [0, 0, 1, 1], [], []>, transpose_lhs_hint = false} : vector<96x96xf32>, vector<96x1xf32>, vector<96x1xf32> -> vector<96x1xf32>
    %get3A_16 = arith.constant 0 : index
    %get3A_17 = arith.constant 0 : index
    %get3A_18 = vector.load %arg5[%get3A_16, %get3A_17] : memref<96x1xf32, #tpu.memory_space<vmem>>, vector<96x1xf32>
    %add3A_19 = arith.addf %dot_general3A_15, %get3A_18 : vector<96x1xf32>
    %logistic3A = arith.negf %add3A_19 : vector<96x1xf32>
    %logistic3A_20 = math.exp %logistic3A : vector<96x1xf32>
    %logistic3A_21 = arith.constant 1.000000e+00 : f32
    %logistic3A_22 = vector.broadcast %logistic3A_21 : f32 to vector<96x1xf32>
    %logistic3A_23 = arith.addf %logistic3A_22, %logistic3A_20 : vector<96x1xf32>
    %logistic3A_24 = arith.divf %logistic3A_22, %logistic3A_23 : vector<96x1xf32>
    %get3A_25 = arith.constant 0 : index
    %get3A_26 = arith.constant 0 : index
    %get3A_27 = vector.load %arg0[%get3A_25, %get3A_26] : memref<96x2xf32, #tpu.memory_space<vmem>>, vector<96x1xf32>
    %get3A_28 = arith.constant 0 : index
    %get3A_29 = arith.constant 1 : index
    %get3A_30 = vector.load %arg0[%get3A_28, %get3A_29] : memref<96x2xf32, #tpu.memory_space<vmem>>, vector<96x1xf32>
    %concatenate3A = tpu.concatenate %get3A_27, %get3A_30 in 0 : vector<96x1xf32>, vector<96x1xf32> -> vector<192x1xf32>
    %mul3A = arith.constant 3.81469727E-6 : f32
    %mul3A_31 = vector.broadcast %mul3A : f32 to vector<192x1xf32>
    %mul3A_32 = arith.mulf %concatenate3A, %mul3A_31 : vector<192x1xf32>
    %get3A_33 = arith.constant 0 : index
    %get3A_34 = arith.constant 0 : index
    %get3A_35 = vector.load %arg6[%get3A_33, %get3A_34] : memref<12x192xf32, #tpu.memory_space<vmem>>, vector<12x192xf32>
    %dot_general3A_36 = arith.constant dense<0.000000e+00> : vector<12x1xf32>
    %dot_general3A_37 = tpu.matmul %get3A_35, %mul3A_32, %dot_general3A_36 {dimension_numbers = #tpu.dot_dimension_numbers<[1], [0], [0], [1], [0, 0, 1, 1], [], []>, transpose_lhs_hint = false} : vector<12x192xf32>, vector<192x1xf32>, vector<12x1xf32> -> vector<12x1xf32>
    %get3A_38 = arith.constant 0 : index
    %get3A_39 = arith.constant 0 : index
    %get3A_40 = vector.load %arg7[%get3A_38, %get3A_39] : memref<12x1xf32, #tpu.memory_space<vmem>>, vector<12x1xf32>
    %add3A_41 = arith.addf %dot_general3A_37, %get3A_40 : vector<12x1xf32>
    %max3A_42 = arith.constant 0.000000e+00 : f32
    %max3A_43 = vector.broadcast %max3A_42 : f32 to vector<12x1xf32>
    %max3A_44 = arith.maximumf %add3A_41, %max3A_43 : vector<12x1xf32>
    %get3A_45 = arith.constant 0 : index
    %get3A_46 = arith.constant 0 : index
    %get3A_47 = vector.load %arg8[%get3A_45, %get3A_46] : memref<96x12xf32, #tpu.memory_space<vmem>>, vector<96x12xf32>
    %dot_general3A_48 = arith.constant dense<0.000000e+00> : vector<96x1xf32>
    %dot_general3A_49 = tpu.matmul %get3A_47, %max3A_44, %dot_general3A_48 {dimension_numbers = #tpu.dot_dimension_numbers<[1], [0], [0], [1], [0, 0, 1, 1], [], []>, transpose_lhs_hint = false} : vector<96x12xf32>, vector<12x1xf32>, vector<96x1xf32> -> vector<96x1xf32>
    %get3A_50 = arith.constant 0 : index
    %get3A_51 = arith.constant 0 : index
    %get3A_52 = vector.load %arg9[%get3A_50, %get3A_51] : memref<96x1xf32, #tpu.memory_space<vmem>>, vector<96x1xf32>
    %add3A_53 = arith.addf %dot_general3A_49, %get3A_52 : vector<96x1xf32>
    %logistic3A_54 = arith.negf %add3A_53 : vector<96x1xf32>
    %logistic3A_55 = math.exp %logistic3A_54 : vector<96x1xf32>
    %logistic3A_56 = arith.constant 1.000000e+00 : f32
    %logistic3A_57 = vector.broadcast %logistic3A_56 : f32 to vector<96x1xf32>
    %logistic3A_58 = arith.addf %logistic3A_57, %logistic3A_55 : vector<96x1xf32>
    %logistic3A_59 = arith.divf %logistic3A_57, %logistic3A_58 : vector<96x1xf32>
    %mul3A_60 = arith.mulf %logistic3A_24, %logistic3A_59 : vector<96x1xf32>
    %broadcast_in_dim3A = vector.shape_cast %mul3A_60 : vector<96x1xf32> to vector<96x1xf32>
    %broadcast_in_dim3A_61 = vector.broadcast %broadcast_in_dim3A : vector<96x1xf32> to vector<96x96xf32>
    %transpose3A = tpu.transpose %broadcast_in_dim3A_61, [1, 0] : vector<96x96xf32> -> vector<96x96xf32>
    %iota3A = tpu.iota {dimensions = array<i32: 0>} : vector<96x96xi32>
    %iota3A_62 = tpu.iota {dimensions = array<i32: 1>} : vector<96x96xi32>
    %gt3A = arith.cmpf ogt, %transpose3A, %broadcast_in_dim3A_61 : vector<96x96xf32>
    %eq3A = arith.cmpf oeq, %transpose3A, %broadcast_in_dim3A_61 : vector<96x96xf32>
    %lt3A = arith.cmpi slt, %iota3A_62, %iota3A : vector<96x96xi32>
    %and3A = arith.andi %eq3A, %lt3A : vector<96x96xi1>
    %or3A = arith.ori %gt3A, %and3A : vector<96x96xi1>
    %convert_element_type3A = arith.extui %or3A : vector<96x96xi1> to vector<96x96xi32>
    %convert_element_type3A_63 = arith.sitofp %convert_element_type3A : vector<96x96xi32> to vector<96x96xf32>
    %reduce_sum3A = arith.constant dense<0.000000e+00> : vector<96xf32>
    %reduce_sum3A_64 = vector.multi_reduction <add>, %convert_element_type3A_63, %reduce_sum3A [1] : vector<96x96xf32> to vector<96xf32>
    %broadcast_in_dim3A_65 = vector.shape_cast %reduce_sum3A_64 : vector<96xf32> to vector<96x1xf32>
    %lt3A_66 = arith.constant 4.800000e+01 : f32
    %lt3A_67 = vector.broadcast %lt3A_66 : f32 to vector<96x1xf32>
    %lt3A_68 = arith.cmpf olt, %broadcast_in_dim3A_65, %lt3A_67 : vector<96x1xf32>
    %convert_element_type3A_69 = arith.extui %lt3A_68 : vector<96x1xi1> to vector<96x1xi32>
    %convert_element_type3A_70 = arith.sitofp %convert_element_type3A_69 : vector<96x1xi32> to vector<96x1xf32>
    %lt3A_71 = arith.cmpi slt, %iota3A_62, %iota3A : vector<96x96xi32>
    %convert_element_type3A_72 = arith.extui %lt3A_71 : vector<96x96xi1> to vector<96x96xi32>
    %convert_element_type3A_73 = arith.sitofp %convert_element_type3A_72 : vector<96x96xi32> to vector<96x96xf32>
    %dot_general3A_74 = arith.constant dense<0.000000e+00> : vector<96x1xf32>
    %dot_general3A_75 = tpu.matmul %convert_element_type3A_73, %convert_element_type3A_70, %dot_general3A_74 {dimension_numbers = #tpu.dot_dimension_numbers<[1], [0], [0], [1], [0, 0, 1, 1], [], []>, precision = #tpu.contract_precision<fp32>, transpose_lhs_hint = false} : vector<96x96xf32>, vector<96x1xf32>, vector<96x1xf32> -> vector<96x1xf32>
    %iota3A_76 = tpu.iota {dimensions = array<i32: 1>} : vector<96x48xi32>
    %convert_element_type3A_77 = arith.sitofp %iota3A_76 : vector<96x48xi32> to vector<96x48xf32>
    %eq3A_78 = vector.broadcast %dot_general3A_75 : vector<96x1xf32> to vector<96x48xf32>
    %eq3A_79 = arith.cmpf oeq, %eq3A_78, %convert_element_type3A_77 : vector<96x48xf32>
    %convert_element_type3A_80 = arith.extui %eq3A_79 : vector<96x48xi1> to vector<96x48xi32>
    %convert_element_type3A_81 = arith.sitofp %convert_element_type3A_80 : vector<96x48xi32> to vector<96x48xf32>
    %mul3A_82 = vector.broadcast %convert_element_type3A_70 : vector<96x1xf32> to vector<96x48xf32>
    %mul3A_83 = arith.mulf %mul3A_82, %convert_element_type3A_81 : vector<96x48xf32>
    %get3A_84 = arith.constant 0 : index
    %get3A_85 = arith.constant 0 : index
    %get3A_86 = vector.load %arg12[%get3A_84, %get3A_85] : memref<48x48xf32, #tpu.memory_space<vmem>>, vector<48x48xf32>
    %get3A_87 = arith.constant 0 : index
    %get3A_88 = arith.constant 0 : index
    %get3A_89 = vector.load %arg13[%get3A_87, %get3A_88] : memref<48x1xf32, #tpu.memory_space<vmem>>, vector<48x1xf32>
    %dot_general3A_90 = arith.constant dense<0.000000e+00> : vector<96x48xf32>
    %dot_general3A_91 = tpu.matmul %mul3A_83, %get3A_86, %dot_general3A_90 {dimension_numbers = #tpu.dot_dimension_numbers<[1], [0], [0], [1], [0, 0, 1, 1], [], []>, precision = #tpu.contract_precision<fp32>, transpose_lhs_hint = false} : vector<96x48xf32>, vector<48x48xf32>, vector<96x48xf32> -> vector<96x48xf32>
    %dot_general3A_92 = arith.constant dense<0.000000e+00> : vector<96x96xf32>
    %dot_general3A_93 = tpu.matmul %dot_general3A_91, %mul3A_83, %dot_general3A_92 {dimension_numbers = #tpu.dot_dimension_numbers<[1], [1], [0], [0], [0, 0, 1, 0], [], []>, precision = #tpu.contract_precision<fp32>, transpose_lhs_hint = false} : vector<96x48xf32>, vector<96x48xf32>, vector<96x96xf32> -> vector<96x96xf32>
    %dot_general3A_94 = arith.constant dense<0.000000e+00> : vector<96x1xf32>
    %dot_general3A_95 = tpu.matmul %mul3A_83, %get3A_89, %dot_general3A_94 {dimension_numbers = #tpu.dot_dimension_numbers<[1], [0], [0], [1], [0, 0, 1, 1], [], []>, precision = #tpu.contract_precision<fp32>, transpose_lhs_hint = false} : vector<96x48xf32>, vector<48x1xf32>, vector<96x1xf32> -> vector<96x1xf32>
    %get3A_96 = arith.constant 0 : index
    %get3A_97 = arith.constant 0 : index
    %get3A_98 = vector.load %arg10[%get3A_96, %get3A_97] : memref<48x48xf32, #tpu.memory_space<vmem>>, vector<48x48xf32>
    %get3A_99 = arith.constant 0 : index
    %get3A_100 = arith.constant 0 : index
    %get3A_101 = vector.load %arg11[%get3A_99, %get3A_100] : memref<48x1xf32, #tpu.memory_space<vmem>>, vector<48x1xf32>
    %dot_general3A_102 = arith.constant dense<0.000000e+00> : vector<96x48xf32>
    %dot_general3A_103 = tpu.matmul %mul3A_83, %get3A_98, %dot_general3A_102 {dimension_numbers = #tpu.dot_dimension_numbers<[1], [0], [0], [1], [0, 0, 1, 1], [], []>, precision = #tpu.contract_precision<fp32>, transpose_lhs_hint = false} : vector<96x48xf32>, vector<48x48xf32>, vector<96x48xf32> -> vector<96x48xf32>
    %dot_general3A_104 = arith.constant dense<0.000000e+00> : vector<96x96xf32>
    %dot_general3A_105 = tpu.matmul %dot_general3A_103, %mul3A_83, %dot_general3A_104 {dimension_numbers = #tpu.dot_dimension_numbers<[1], [1], [0], [0], [0, 0, 1, 0], [], []>, precision = #tpu.contract_precision<fp32>, transpose_lhs_hint = false} : vector<96x48xf32>, vector<96x48xf32>, vector<96x96xf32> -> vector<96x96xf32>
    %dot_general3A_106 = arith.constant dense<0.000000e+00> : vector<96x1xf32>
    %dot_general3A_107 = tpu.matmul %mul3A_83, %get3A_101, %dot_general3A_106 {dimension_numbers = #tpu.dot_dimension_numbers<[1], [0], [0], [1], [0, 0, 1, 1], [], []>, precision = #tpu.contract_precision<fp32>, transpose_lhs_hint = false} : vector<96x48xf32>, vector<48x1xf32>, vector<96x1xf32> -> vector<96x1xf32>
    %swap3A = arith.constant 0 : index
    %swap3A_108 = arith.constant 0 : index
    %swap3A_109 = vector.load %arg14[%swap3A, %swap3A_108] : memref<96x96xf32, #tpu.memory_space<vmem>>, vector<96x96xf32>
    tpu.vector_store %arg14[%swap3A, %swap3A_108], %dot_general3A_93 {strides = array<i32>} : memref<96x96xf32, #tpu.memory_space<vmem>>, vector<96x96xf32>,
    %swap3A_110 = arith.constant 0 : index
    %swap3A_111 = arith.constant 0 : index
    %swap3A_112 = vector.load %arg15[%swap3A_110, %swap3A_111] : memref<96x96xf32, #tpu.memory_space<vmem>>, vector<96x96xf32>
    tpu.vector_store %arg15[%swap3A_110, %swap3A_111], %dot_general3A_105 {strides = array<i32>} : memref<96x96xf32, #tpu.memory_space<vmem>>, vector<96x96xf32>,
    %sub3A = arith.constant 1.000000e+00 : f32
    %sub3A_113 = vector.broadcast %sub3A : f32 to vector<96x1xf32>
    %sub3A_114 = arith.subf %sub3A_113, %convert_element_type3A_70 : vector<96x1xf32>
    %concatenate3A_115 = tpu.concatenate %mul3A_60, %sub3A_114, %dot_general3A_95, %dot_general3A_107 in 1 : vector<96x1xf32>, vector<96x1xf32>, vector<96x1xf32>, vector<96x1xf32> -> vector<96x4xf32>
    %swap3A_116 = arith.constant 0 : index
    %swap3A_117 = arith.constant 0 : index
    %swap3A_118 = vector.load %arg16[%swap3A_116, %swap3A_117] : memref<96x4xf32, #tpu.memory_space<vmem>>, vector<96x4xf32>
    tpu.vector_store %arg16[%swap3A_116, %swap3A_117], %concatenate3A_115 {strides = array<i32>} : memref<96x4xf32, #tpu.memory_space<vmem>>, vector<96x4xf32>,
    return
  }
}

module attributes {stable_mosaic.version = 14 : i64} {
  func.func @_pool_body(%arg0: i32, %arg1: memref<96x4096xf32, #tpu.memory_space<vmem>>, %arg2: memref<96x4096xf32, #tpu.memory_space<vmem>>, %arg3: memref<96x2xf32, #tpu.memory_space<vmem>>) attributes {dimension_semantics = [#tpu.dimension_semantics<arbitrary>], iteration_bounds = array<i64: 64>, scalar_prefetch = 0 : i64, scratch_operands = 0 : i64, tpu.core_type = #tpu.core_type<tc>, window_params = [{transform_indices = @transform_0, window_bounds = array<i64: 96, 4096>}, {transform_indices = @transform_1, window_bounds = array<i64: 96, 4096>}, {pipeline_mode = #tpu.pipeline_mode<synchronous>, transform_indices = @transform_2, window_bounds = array<i64: 96, 2>}]} {
    %eq3A = arith.constant 0 : i32
    %eq3A_0 = arith.cmpi eq, %arg0, %eq3A : i32
    %convert_element_type3A = arith.extui %eq3A_0 : i1 to i32
    %cond3A = arith.constant 0 : i32
    %cond3A_1 = arith.cmpi ne, %convert_element_type3A, %cond3A : i32
    scf.if %cond3A_1 {
      %broadcast_in_dim3A_16 = arith.constant 0.000000e+00 : f32
      %broadcast_in_dim3A_17 = vector.broadcast %broadcast_in_dim3A_16 : f32 to vector<96x2xf32>
      %swap3A_18 = arith.constant 0 : index
      %swap3A_19 = arith.constant 0 : index
      %swap3A_20 = vector.load %arg3[%swap3A_18, %swap3A_19] : memref<96x2xf32, #tpu.memory_space<vmem>>, vector<96x2xf32>
      tpu.vector_store %arg3[%swap3A_18, %swap3A_19], %broadcast_in_dim3A_17 {strides = array<i32>} : memref<96x2xf32, #tpu.memory_space<vmem>>, vector<96x2xf32>,
    } else {
    }
    %get3A = arith.constant 0 : index
    %get3A_2 = arith.constant 0 : index
    %get3A_3 = vector.load %arg1[%get3A, %get3A_2] : memref<96x4096xf32, #tpu.memory_space<vmem>>, vector<96x4096xf32>
    %reduce_sum3A = arith.constant dense<0.000000e+00> : vector<96xf32>
    %reduce_sum3A_4 = vector.multi_reduction <add>, %get3A_3, %reduce_sum3A [1] : vector<96x4096xf32> to vector<96xf32>
    %broadcast_in_dim3A = vector.shape_cast %reduce_sum3A_4 : vector<96xf32> to vector<96x1xf32>
    %get3A_5 = arith.constant 0 : index
    %get3A_6 = arith.constant 0 : index
    %get3A_7 = vector.load %arg2[%get3A_5, %get3A_6] : memref<96x4096xf32, #tpu.memory_space<vmem>>, vector<96x4096xf32>
    %reduce_sum3A_8 = arith.constant dense<0.000000e+00> : vector<96xf32>
    %reduce_sum3A_9 = vector.multi_reduction <add>, %get3A_7, %reduce_sum3A_8 [1] : vector<96x4096xf32> to vector<96xf32>
    %broadcast_in_dim3A_10 = vector.shape_cast %reduce_sum3A_9 : vector<96xf32> to vector<96x1xf32>
    %get3A_11 = arith.constant 0 : index
    %get3A_12 = arith.constant 0 : index
    %get3A_13 = vector.load %arg3[%get3A_11, %get3A_12] : memref<96x2xf32, #tpu.memory_space<vmem>>, vector<96x2xf32>
    %concatenate3A = tpu.concatenate %broadcast_in_dim3A, %broadcast_in_dim3A_10 in 1 : vector<96x1xf32>, vector<96x1xf32> -> vector<96x2xf32>
    %add3A = arith.addf %get3A_13, %concatenate3A : vector<96x2xf32>
    %swap3A = arith.constant 0 : index
    %swap3A_14 = arith.constant 0 : index
    %swap3A_15 = vector.load %arg3[%swap3A, %swap3A_14] : memref<96x2xf32, #tpu.memory_space<vmem>>, vector<96x2xf32>
    tpu.vector_store %arg3[%swap3A, %swap3A_14], %add3A {strides = array<i32>} : memref<96x2xf32, #tpu.memory_space<vmem>>, vector<96x2xf32>,
    return
  }
  func.func @transform_0(%arg0: i32) -> (i32, i32) {
    %c0_i32 = arith.constant 0 : i32
    %c0_i32_0 = arith.constant 0 : i32
    return %c0_i32, %arg0 : i32, i32
  }
  func.func @transform_1(%arg0: i32) -> (i32, i32) {
    %c0_i32 = arith.constant 0 : i32
    %c0_i32_0 = arith.constant 0 : i32
    return %c0_i32, %arg0 : i32, i32
  }
  func.func @transform_2(%arg0: i32) -> (i32, i32) {
    %c0_i32 = arith.constant 0 : i32
    %c0_i32_0 = arith.constant 0 : i32
    %c0_i32_1 = arith.constant 0 : i32
    return %c0_i32, %c0_i32_0 : i32, i32
  }
}

module attributes {stable_mosaic.version = 14 : i64} {
  func.func @_transform_body(%arg0: i32, %arg1: memref<96x4096xf32, #tpu.memory_space<vmem>>, %arg2: memref<96x4096xf32, #tpu.memory_space<vmem>>, %arg3: memref<96x96xf32, #tpu.memory_space<vmem>>, %arg4: memref<96x96xf32, #tpu.memory_space<vmem>>, %arg5: memref<96x4xf32, #tpu.memory_space<vmem>>, %arg6: memref<96x4096xf32, #tpu.memory_space<vmem>>, %arg7: memref<96x4096xf32, #tpu.memory_space<vmem>>) attributes {dimension_semantics = [#tpu.dimension_semantics<arbitrary>], iteration_bounds = array<i64: 64>, scalar_prefetch = 0 : i64, scratch_operands = 0 : i64, tpu.core_type = #tpu.core_type<tc>, window_params = [{transform_indices = @transform_0, window_bounds = array<i64: 96, 4096>}, {transform_indices = @transform_1, window_bounds = array<i64: 96, 4096>}, {pipeline_mode = #tpu.pipeline_mode<synchronous>, transform_indices = @transform_2, window_bounds = array<i64: 96, 96>}, {pipeline_mode = #tpu.pipeline_mode<synchronous>, transform_indices = @transform_3, window_bounds = array<i64: 96, 96>}, {pipeline_mode = #tpu.pipeline_mode<synchronous>, transform_indices = @transform_4, window_bounds = array<i64: 96, 4>}, {transform_indices = @transform_5, window_bounds = array<i64: 96, 4096>}, {transform_indices = @transform_6, window_bounds = array<i64: 96, 4096>}]} {
    %get3A = arith.constant 0 : index
    %get3A_0 = arith.constant 1 : index
    %get3A_1 = vector.load %arg5[%get3A, %get3A_0] : memref<96x4xf32, #tpu.memory_space<vmem>>, vector<96x1xf32>
    %get3A_2 = arith.constant 0 : index
    %get3A_3 = arith.constant 2 : index
    %get3A_4 = vector.load %arg5[%get3A_2, %get3A_3] : memref<96x4xf32, #tpu.memory_space<vmem>>, vector<96x1xf32>
    %get3A_5 = arith.constant 0 : index
    %get3A_6 = arith.constant 3 : index
    %get3A_7 = vector.load %arg5[%get3A_5, %get3A_6] : memref<96x4xf32, #tpu.memory_space<vmem>>, vector<96x1xf32>
    %get3A_8 = arith.constant 0 : index
    %get3A_9 = arith.constant 0 : index
    %get3A_10 = vector.load %arg1[%get3A_8, %get3A_9] : memref<96x4096xf32, #tpu.memory_space<vmem>>, vector<96x4096xf32>
    %get3A_11 = arith.constant 0 : index
    %get3A_12 = arith.constant 0 : index
    %get3A_13 = vector.load %arg2[%get3A_11, %get3A_12] : memref<96x4096xf32, #tpu.memory_space<vmem>>, vector<96x4096xf32>
    %mul3A = vector.broadcast %get3A_1 : vector<96x1xf32> to vector<96x4096xf32>
    %mul3A_14 = arith.mulf %mul3A, %get3A_10 : vector<96x4096xf32>
    %add3A = vector.broadcast %get3A_4 : vector<96x1xf32> to vector<96x4096xf32>
    %add3A_15 = arith.addf %mul3A_14, %add3A : vector<96x4096xf32>
    %get3A_16 = arith.constant 0 : index
    %get3A_17 = arith.constant 0 : index
    %get3A_18 = vector.load %arg3[%get3A_16, %get3A_17] : memref<96x96xf32, #tpu.memory_space<vmem>>, vector<96x96xf32>
    %dot_general3A = arith.constant dense<0.000000e+00> : vector<96x4096xf32>
    %dot_general3A_19 = tpu.matmul %get3A_18, %get3A_13, %dot_general3A {dimension_numbers = #tpu.dot_dimension_numbers<[1], [0], [0], [1], [0, 0, 1, 1], [], []>, transpose_lhs_hint = false} : vector<96x96xf32>, vector<96x4096xf32>, vector<96x4096xf32> -> vector<96x4096xf32>
    %add3A_20 = arith.addf %add3A_15, %dot_general3A_19 : vector<96x4096xf32>
    %swap3A = arith.constant 0 : index
    %swap3A_21 = arith.constant 0 : index
    %swap3A_22 = vector.load %arg6[%swap3A, %swap3A_21] : memref<96x4096xf32, #tpu.memory_space<vmem>>, vector<96x4096xf32>
    tpu.vector_store %arg6[%swap3A, %swap3A_21], %add3A_20 {strides = array<i32>} : memref<96x4096xf32, #tpu.memory_space<vmem>>, vector<96x4096xf32>,
    %mul3A_23 = vector.broadcast %get3A_1 : vector<96x1xf32> to vector<96x4096xf32>
    %mul3A_24 = arith.mulf %mul3A_23, %get3A_13 : vector<96x4096xf32>
    %add3A_25 = vector.broadcast %get3A_7 : vector<96x1xf32> to vector<96x4096xf32>
    %add3A_26 = arith.addf %mul3A_24, %add3A_25 : vector<96x4096xf32>
    %get3A_27 = arith.constant 0 : index
    %get3A_28 = arith.constant 0 : index
    %get3A_29 = vector.load %arg4[%get3A_27, %get3A_28] : memref<96x96xf32, #tpu.memory_space<vmem>>, vector<96x96xf32>
    %dot_general3A_30 = arith.constant dense<0.000000e+00> : vector<96x4096xf32>
    %dot_general3A_31 = tpu.matmul %get3A_29, %get3A_10, %dot_general3A_30 {dimension_numbers = #tpu.dot_dimension_numbers<[1], [0], [0], [1], [0, 0, 1, 1], [], []>, transpose_lhs_hint = false} : vector<96x96xf32>, vector<96x4096xf32>, vector<96x4096xf32> -> vector<96x4096xf32>
    %add3A_32 = arith.addf %add3A_26, %dot_general3A_31 : vector<96x4096xf32>
    %swap3A_33 = arith.constant 0 : index
    %swap3A_34 = arith.constant 0 : index
    %swap3A_35 = vector.load %arg7[%swap3A_33, %swap3A_34] : memref<96x4096xf32, #tpu.memory_space<vmem>>, vector<96x4096xf32>
    tpu.vector_store %arg7[%swap3A_33, %swap3A_34], %add3A_32 {strides = array<i32>} : memref<96x4096xf32, #tpu.memory_space<vmem>>, vector<96x4096xf32>,
    return
  }
  func.func @transform_0(%arg0: i32) -> (i32, i32) {
    %c0_i32 = arith.constant 0 : i32
    %c0_i32_0 = arith.constant 0 : i32
    return %c0_i32, %arg0 : i32, i32
  }
  func.func @transform_1(%arg0: i32) -> (i32, i32) {
    %c0_i32 = arith.constant 0 : i32
    %c0_i32_0 = arith.constant 0 : i32
    return %c0_i32, %arg0 : i32, i32
  }
  func.func @transform_2(%arg0: i32) -> (i32, i32) {
    %c0_i32 = arith.constant 0 : i32
    %c0_i32_0 = arith.constant 0 : i32
    %c0_i32_1 = arith.constant 0 : i32
    return %c0_i32, %c0_i32_0 : i32, i32
  }
  func.func @transform_3(%arg0: i32) -> (i32, i32) {
    %c0_i32 = arith.constant 0 : i32
    %c0_i32_0 = arith.constant 0 : i32
    %c0_i32_1 = arith.constant 0 : i32
    return %c0_i32, %c0_i32_0 : i32, i32
  }
  func.func @transform_4(%arg0: i32) -> (i32, i32) {
    %c0_i32 = arith.constant 0 : i32
    %c0_i32_0 = arith.constant 0 : i32
    %c0_i32_1 = arith.constant 0 : i32
    return %c0_i32, %c0_i32_0 : i32, i32
  }
  func.func @transform_5(%arg0: i32) -> (i32, i32) {
    %c0_i32 = arith.constant 0 : i32
    %c0_i32_0 = arith.constant 0 : i32
    return %c0_i32, %arg0 : i32, i32
  }
  func.func @transform_6(%arg0: i32) -> (i32, i32) {
    %c0_i32 = arith.constant 0 : i32
    %c0_i32_0 = arith.constant 0 : i32
    return %c0_i32, %arg0 : i32, i32
  }
}

</mosaic_0001>

<sc_bundles>
// kernel: sparse-core-data-format-call.1.cloned.1.call-start
scs
called_computation.1_lowered:
.L_overlay_start_0:
0x0: {  	s2 =	sld [smem:$0x3FD9]  }
0x1: {  	s3 =	sld [smem:$0x3FFE];
	_ =	sdelay $0x1  }
0x2: {  	s1 =	srdreg.scid  }
0x3: {  	s0 =	sand.u32 $0x1, s1  }
0x4: {  	s16 =	sshll.u32 s0, $0xA;
	s2 =	sadd.s32 s3, s2  }
0x5: {  	s2 =	sadd.s32 s2, s16  }
0x6: {  	[smem:$0x3FB9] =	sst s2  }
0x7: {  	_ = 	snop  }
0x8: {  	s2 =	sld [smem:$0x3FD0];
	_ =	sdelay $0x2  }
0x9: {  	s17 =	simm.s32 $0xB;
	s4 =	simm.s32 $0x10  }
0xa: {  	[smem:s4], [sflag:s17] =	dma.local [hbm:s2], $0x1  }
0xb: {  	_ =	swait.eq [sflag:s17], $0x1  }
0xc: {  	[sflag:s17] =	ssyncset.done $0x0  }
0xd: {  	[sflag:s17] =	ssyncadd.s32 $0xFFFFFFFF  }
0xe: {  	s18 =	sld [smem:$0x10];
	(tm) =	ssettm $0x1  }
0xf: {  	s19 =	sld [smem:$0x3FFB];
	_ =	sdelay $0x3  }
0x10: {  	_ =	strace s19  }
0x11: {  	s2 =	sld [smem:$0x3FFC];
	_ =	sdelay $0x3  }
0x12: {  	_ =	strace s2  }
0x13: {  	s2 =	sld [smem:$0x3FFD];
	_ =	sdelay $0x3  }
0x14: {  	_ =	strace s2  }
0x15: {  	_ =	strace $0x8FFFFFFF  }
0x16: {  	s20 =	sld [smem:$0x3FDB];
	_ =	sdelay $0x1  }
0x17: {  	s21 =	simm.s32 $_scs_section_size  }
0x18: {  	s5 =	simm.s32 $_size__tile_overlayer_lowered;
	s6 =	simm.s32 $_tile_overlayer_lowered  }
0x19: {  	s7 =	simm.s32 $0x1BFF;
	s22 =	sshll.u32 s6, $0x1;
	s4 =	sadd.s32 s21, s20  }
0x1a: {  	s23 =	simm.s32 $0x0;
	s5 =	sshll.u32 s5, $0x1;
	s6 =	sadd.s32 s22, s4  }
0x1b: {  	[timem:s23], [sflag:s7] =	dma.local [hbm:s6], s5  }
0x1c: {  	_ =	swait.ge [sflag:s7], s5  }
0x1d: {  	s5 =	ssub.s32 $0x0, s5;
	[sflag:s7] =	ssyncset.done $0x0  }
0x1e: {  	[sflag:s7] =	ssyncadd.s32 s5;
	_ =	sdelay $0x1  }
0x1f: {  	s24 =	simm.s32 $0x1B8B  }
0x20: {  	_ =	swait.ge [sflag:s24], $0x1  }
0x21: {  	[sflag:s24] =	ssyncset.done $0x0  }
0x22: {  	[sflag:s24] =	ssyncadd.s32 $0xFFFFFFFF  }
0x23: {  	s5 =	sld [smem:$0x0]  }
0x24: {  	s6 =	sand.u32 $0xFFFFFFFE, s1  }
0x25: {  	p0 =	sne.s32 s1, s6  }
0x26: {  	s6 =	sshll.u32 @p0 s6, $0xE  }
0x27: {  	s6 =	sadd.s32 @p0 $0x11B8D, s6;
	s7 =	sshll.u32 @p0 s5, $0x11  }
0x28: {  	s6 =	sor.u32 @p0 s7, s6  }
0x29: {  	[sflag:s6] =	ssyncadd.remote.s32 @p0 $0x1;
	_ =	sdelay $0x1  }
0x2a: {  	s6 =	simm.s32 @p0 $0x1B8D  }
0x2b: {  	_ =	swait.eq @p0 [sflag:s6], $0x1  }
0x2c: {  	[sflag:s6] =	ssyncadd.s32 @p0 $0xFFFFFFFF  }
0x2d: {  	s7 =	sshll.u32 @!p0 s1, $0xE  }
0x2e: {  	s7 =	sor.u32 @!p0 $0x4000, s7;
	s6 =	simm.s32 @!p0 $0x1B8D  }
0x2f: {  	s5 =	sshll.u32 @!p0 s5, $0x11;
	s7 =	sadd.s32 @!p0 $0x11B8D, s7;
	_ =	swait.eq @!p0 [sflag:s6], $0x1  }
0x30: {  	s5 =	sor.u32 @!p0 s5, s7;
	[sflag:s6] =	ssyncadd.s32 @!p0 $0xFFFFFFFF  }
0x31: {  	s26 =	simm.s32 $0x1B8E;
	s25 =	sld [smem:$0x3FFE];
	[sflag:s5] =	ssyncadd.remote.s32 @!p0 $0x1  }
0x32: {  	s27 =	simm.s32 $execute0_lowered;
	[smem:$0x3FD2] =	sst s26  }
0x33: {  	s6 =	sshll.u32 s27, $0x1;
	_ =	strace $0x8000004F;
	[dreg:$0x1] =	wrdreg $0xFFFFFFFF  }
0x34: {  	s28 =	simm.s32 $_size_execute0_lowered;
	s4 =	sadd.s32 s4, s6;
	[dreg:$0x0] =	wrdreg $0x0  }
0x35: {  	s6 =	sshll.u32 s28, $0x1;
	[dreg:$0x2] =	wrdreg s4  }
0x36: {  	[dreg:$0x3] =	wrdreg s6  }
0x37: {  	[dreg:$0x4] =	wrdreg $0xC0  }
0x38: {  	_ =	task [dreg:s23], $0x5FFFF  }
0x39: {  	[dreg:$0x1] =	wrdreg $0xFFFFFFFF  }
0x3a: {  	[dreg:$0x0] =	wrdreg $0x60  }
0x3b: {  	[dreg:$0x2] =	wrdreg s25  }
0x3c: {  	[dreg:$0x3] =	wrdreg s18  }
0x3d: {  	[dreg:$0x4] =	wrdreg $0xA  }
0x3e: {  	_ =	task.clear_ibuf [dreg:s23], $0x5FFFF;
	_ =	strace $0x9000004F  }
0x3f: {  	s29 =	simm.s32 $0xA;
	_ =	strace $0x80000051  }
0x40: {  	_ =	swait.ge [sflag:s29], $0x1  }
0x41: {  	[sflag:s29] =	ssyncadd.s32 $0xFFFFFFFF  }
0x42: {  	_ =	strace $0x90000051  }
0x43: {  	_ =	sfence  }
0x44: {  	s30 =	sld [smem:$0x0];
	_ =	sdelay $0x2  }
0x45: {  	s31 =	sshll.u32 s1, $0xD;
	s1 =	sshrl.u32 s1, $0x2  }
0x46: {  	s4 =	sand.u32 $0x4000, s31;
	s1 =	sadd.s32 s1, s30  }
0x47: {  	s0 =	sor.u32 s4, s0;
	s1 =	sshll.u32 s1, $0x11  }
0x48: {  	s0 =	sor.u32 s1, s0  }
0x49: {  	s0 =	sadd.s32 $0x8F2B, s0  }
0x4a: {  	[sflag:s0] =	ssyncadd.remote.s32 $0x1  }
0x4b: {  	_ =	sfence.sel $0xFFFF  }
0x4c: {  	[dreg:$0x0] =	wrdreg $0xFFFFFFFF;
	(pc) =	sbr.abs _section_cstart, $3  }
0x4d: {  	[dreg:$0x1] =	wrdreg $0xFFFFFFFF  }
0x4e: {  	_ =	task.clear_ibuf [dreg:s23], $0x2FFFF;
	_ =	strace $0x9FFFFFFF  }
0x4f: {  	(tm) =	ssettm $0x7FFFFFFF  }
tec
execute0_lowered:
.L_overlay_start_1:
0x0: {  	(tag) =	ssettag $0x1  }
0x1: {  	s0 =	srdreg.scid  }
0x2: {  	s6 =	rddreg [dreg:$0x0];
	s1 =	sshll.u32 s0, $0x4  }
0x3: {  	s4 =	simm.s32 $0x1;
	s0 =	stileid.u32;
	s1 =	sand.u32 $0x10, s1  }
0x4: {  	s31 =	simm.s32 $0x2;
	s15 =	simm.s32 $0x0;
	s1 =	sor.u32 s0, s1  }
0x5: {  	s8 =	simm.s32 $0x40000;
	s9 =	simm.s32 $0x0;
	s2 =	sshll.u32 s1, $0x3  }
0x6: {  	s16 =	simm.s32 $0x0;
	s18 =	simm.s32 $0x0;
	s1 =	ssub.s32 $0x200, s2  }
0x7: {  	s17 =	simm.s32 $0x0;
	s10 =	simm.s32 $0x0;
	s3 =	sand.u32 $0xF8, s1  }
0x8: {  	s11 =	simm.s32 $0x0;
	s13 =	simm.s32 $0x0;
	p0 =	sne.s32 s3, $0x0  }
.Ltmp0:
0x9: {  	s1 =	sshrl.u32 s1, $0x8;
	s4 =	simm.s32 @!p0 $0x0;
	(pc) =	sbr.rel .LBB1_1-.Ltmp0, $4  }
0xa: {  	s14 =	simm.s32 $0x0;
	s3 =	rddreg [dreg:$0x1];
	s1 =	sadd.s32 s4, s1  }
0xb: {  	_ =	strace $0x80000050;
	s4 =	simm.s32 $0x1;
	s5 =	smul.u32 $0x18, s1  }
0xc: {  	s24 =	simm.s32 $0x0;
	s6 =	sadd.s32 $0x303400, s6;
	[sflag:s4] =	ssyncpa.u1 $0x0  }
0xd: {  	s12 =	smov.u32 s2;
	[sflag:s31] =	ssyncpa.u1 $0x0;
	s7 =	sor.u32 $0x1, s5  }
.LBB1_7:
0xe: {  	s1 =	sadd.s32 $0x100, s10  }
0xf: {  	s15 =	sadd.s32 $0x8, s11;
	s19 =	smov.u32 s11;
	p1 =	sgt.s32 s1, $0x1FF  }
0x10: {  	s19 =	smov.u32 @p1 s15  }
0x11: {  	s20 =	smov.u32 s12;
	s15 =	sadd.s32 $0x100, s12;
	p2 =	sgt.s32 s19, $0x7  }
0x12: {  	s20 =	smov.u32 @p2 s15  }
0x13: {  	s15 =	simm.s32 $0x1;
	p3 =	sgt.s32 s20, $0x1FF  }
0x14: {  	s15 =	simm.s32 @!p3 $0x0  }
0x15: {  	p0 =	slt.u32 s14, $0x2;
	s22 =	sadd.s32 s15, s13  }
0x16: {  	s16 =	smov.u32 s11;
	s1 =	simm.s32 @p1 $0x0;
	p1 =	sgt.s32 s22, $0xB  }
0x17: {  	s21 =	simm.s32 @!p0 $0x2;
	s22 =	simm.s32 @p1 $0x0;
	p1 =	sne.s32 s14, s7  }
.Ltmp1:
0x18: {  	s18 =	smov.u32 s12;
	_ =	swait.ge @!p0 [sflag:s21], $0x4000;
	(pc) =	sbr.rel @!p1 .LBB1_8-.Ltmp1, $4  }
0x19: {  	s17 =	smov.u32 s13;
	[sflag:s21] =	ssyncset.done @!p0 $0x0;
	s19 =	simm.s32 @p2 $0x0  }
0x1a: {  	s9 =	sadd.s32 $0x4000, s9;
	[sflag:s21] =	ssyncadd.s32 @!p0 $0xFFFFC000;
	s11 =	smov.u32 s19  }
0x1b: {  	s20 =	smov.u32 @p3 s2;
	s15 =	smov.u32 s10;
	s10 =	smov.u32 s1  }
0x1c: {  	s12 =	smov.u32 s20;
	s14 =	sadd.s32 $0x1, s14;
	s13 =	smov.u32 s22  }
.LBB1_1:
0x1d: {  	p0 =	sge.u32 s14, s5  }
0x1e: {  	s31 =	sadd.s32 $0xFFFFFFFF, s14;
	s1 =	sxor.u32 @!p0 $0xFFFFFFFF, s14;
	s19 =	sshll.u32 @!p0 s10, $0x3  }
0x1f: {  	s20 =	sshll.u32 @!p0 s11, $0x7;
	s21 =	sand.u32 @!p0 $0x78, s10;
	s22 =	sshll.u32 @!p0 s13, $0x12  }
0x20: {  	s23 =	sshll.u32 @!p0 s12, $0x9;
	s1 =	sshll.u32 @!p0 s1, $0xE;
	s20 =	sand.u32 @!p0 $0x380, s20  }
0x21: {  	s19 =	sand.u32 @!p0 $0xC00, s19;
	s1 =	sand.u32 @!p0 $0x4000, s1;
	s20 =	sor.u32 @!p0 s21, s20  }
0x22: {  	s21 =	sand.u32 @!p0 $0x7, s10;
	s19 =	sor.u32 @!p0 s19, s20;
	s20 =	sadd.s32 @!p0 s6, s22  }
0x23: {  	s21 =	sshll.u32 @!p0 s21, $0x12;
	s19 =	sshrl.u32 @!p0 s19, $0x3;
	s20 =	sadd.s32 @!p0 s23, s20  }
0x24: {  	s19 =	sadd.s32 @!p0 s19, s20;
	s20 =	sor.u32 @!p0 $0x800, s21;
	s21 =	simm.s32 @!p0 $0x1000  }
0x25: {  	[tilespmem:s1], [sflag:$0x1] =	stream.strided.gather @!p0 [hbm4b:s19+s20], $0x4000, s21, s20, $0x38;
	[tilespmem:$0x10000] =	vst v63  }
0x26: {  	p0 =	sge.u32 s31, s5  }
.Ltmp2:
0x27: {  	_ = 	snop;
	(pc) =	sbr.rel @p0 .LBB1_7-.Ltmp2, $1  }
0x28: {  	_ =	sdelay $0x3  }
0x29: {  	s1 =	sshll.u32 s9, $0x2;
	_ =	swait.ge [sflag:s4], $0x4000;
	s19 =	sshll.u32 s14, $0xE  }
0x2a: {  	p0 =	por $0x0, $0x0;
	s25 =	simm.s32 $0x0;
	s26 =	simm.s32 $0x0  }
0x2b: {  	s1 =	sand.u32 $0x10000, s1;
	[sflag:s4] =	ssyncset.done $0x0;
	s22 =	sand.u32 $0x4000, s19  }
0x2c: {  	s1 =	sshrl.u32 s1, $0x2;
	[sflag:s4] =	ssyncadd.s32 $0xFFFFC000;
	s19 =	sor.u32 $0x8000, s22  }
0x2d: {  	s20 =	sor.u32 $0x40, s1;
	s21 =	sor.u32 $0x8410, s1;
	s23 =	sadd.s32 $0x8400, s1  }
.LBB1_3:
0x2e: {  	v1 =	vld [tilespmem:s20+$0xFFFFFFD0]  }
0x2f: {  	v2 =	vld [tilespmem:s20+$0x430]  }
0x30: {  	s1 =	sshll.u32 s26, $0xB;
	v4 =	vld [tilespmem:s20+$0xFFFFFFE0]  }
0x31: {  	v7 =	vld [tilespmem:s20+$0xFFFFFFF0];
	v0 =	vmov s1  }
0x32: {  	v8 =	vld [tilespmem:s20+$0x0]  }
0x33: {  	v9 =	vld [tilespmem:s20+$0x10];
	s1 =	sand.u32 $0x300, s24  }
0x34: {  	s27 =	sand.u32 $0x80, s24;
	v10 =	vld [tilespmem:s20+$0x20];
	s1 =	sadd.s32 s1, s22  }
0x35: {  	v11 =	vld [tilespmem:s20+$0x30];
	s1 =	sadd.s32 s27, s1;
	s27 =	simm.s32 $0x1;
	[tilespmem:s21+$0x60] =	vst v2  }
0x36: {  	s27 =	simm.s32 @!p0 $0x0;
	[tilespmem:s21+$0xFFFFFC00] =	vst v1;
	v3 =	vld.idx.msk [tilespmem:v0+s1+$0x400 ss:$0x1], $0xffff;
	s1 =	sshll.u32 s25, $0x2  }
0x37: {  	v6 =	vld [tilespmem:s20+$0x3D0];
	s27 =	sshll.u32 s27, $0x9;
	[tilespmem:s21+$0xFFFFFC10] =	vst v4;
	s1 =	sand.u32 $0xFFFFFC00, s1  }
0x38: {  	v5 =	vld [tilespmem:s20+$0x3E0];
	[tilespmem:s21+$0xFFFFFC20] =	vst v7;
	s1 =	sor.u32 s27, s1  }
0x39: {  	[tilespmem:s21+$0xFFFFFC30] =	vst v8;
	v4 =	vld [tilespmem:s20+$0x400];
	s1 =	sshrl.u32 s1, $0x2  }
0x3a: {  	[tilespmem:s21+$0xFFFFFC40] =	vst v9;
	v1 =	vld [tilespmem:s20+$0x410];
	s27 =	sadd.s32 s1, s23  }
0x3b: {  	[tilespmem:s27+$0x0] =	vst v3;
	v3 =	vld [tilespmem:s20+$0x3F0]  }
0x3c: {  	s31 =	simm.s32 $0x80;
	s30 =	simm.s32 $0x100;
	[tilespmem:s21+$0xFFFFFC50] =	vst v10;
	v2 =	vld [tilespmem:s20+$0x420]  }
0x3d: {  	s28 =	sadd.s32 $0x80, s20;
	s29 =	smov.u32 s21;
	v7 =	vld [tilespmem:s20+$0xFFFFFFC0];
	[tilespmem:s21+$0xFFFFFC60] =	vst v11;
	s1 =	sand.u32 $0x300, s31  }
.LBB1_4:
0x3e: {  	p1 =	sne.s32 s30, $0x380;
	v8 =	vld [tilespmem:s28+$0xFFFFFFD0];
	s31 =	sand.u32 $0x80, s31;
	s1 =	sadd.s32 s1, s22;
	[tilespmem:s29+$0x0] =	vst v6  }
0x3f: {  	s1 =	sadd.s32 s31, s1;
	v6 =	vld [tilespmem:s28+$0x430];
	[tilespmem:s29+$0x10] =	vst v5;
	s31 =	smov.u32 s30  }
0x40: {  	v5 =	vld.idx.msk [tilespmem:v0+s1+$0x400 ss:$0x1], $0xffff;
	[tilespmem:s29+$0x20] =	vst v3  }
0x41: {  	v3 =	vld [tilespmem:s28+$0xFFFFFFE0];
	[tilespmem:s29+$0x30] =	vst v4  }
0x42: {  	v4 =	vld [tilespmem:s28+$0xFFFFFFF0];
	[tilespmem:s29+$0xFFFFFBF0] =	vst v7  }
0x43: {  	v7 =	vld [tilespmem:s28+$0x0];
	[tilespmem:s29+$0x40] =	vst v1  }
0x44: {  	v1 =	vld [tilespmem:s28+$0x10];
	[tilespmem:s29+$0x50] =	vst v2;
	s29 =	sadd.s32 $0x800, s29  }
0x45: {  	s27 =	sadd.s32 $0x800, s27;
	v2 =	vld [tilespmem:s28+$0x20];
	[tilespmem:s29+$0x60] =	vst v6  }
0x46: {  	v9 =	vld [tilespmem:s28+$0x30];
	[tilespmem:s27+$0x0] =	vst v5  }
0x47: {  	[tilespmem:s29+$0xFFFFFC00] =	vst v8;
	v6 =	vld [tilespmem:s28+$0x3D0]  }
0x48: {  	[tilespmem:s29+$0xFFFFFC10] =	vst v3;
	v5 =	vld [tilespmem:s28+$0x3E0]  }
.Ltmp3:
0x49: {  	[tilespmem:s29+$0xFFFFFC20] =	vst v4;
	v3 =	vld [tilespmem:s28+$0x3F0];
	(pc) =	sbr.rel @p1 .LBB1_4-.Ltmp3, $4  }
0x4a: {  	[tilespmem:s29+$0xFFFFFC30] =	vst v7;
	v4 =	vld [tilespmem:s28+$0x400]  }
0x4b: {  	[tilespmem:s29+$0xFFFFFC40] =	vst v1;
	v1 =	vld [tilespmem:s28+$0x410]  }
0x4c: {  	[tilespmem:s29+$0xFFFFFC50] =	vst v2;
	v2 =	vld [tilespmem:s28+$0x420]  }
0x4d: {  	s30 =	sadd.s32 $0x80, s30;
	s1 =	sand.u32 $0x300, s31;
	v7 =	vld [tilespmem:s28+$0xFFFFFFC0];
	[tilespmem:s29+$0xFFFFFC60] =	vst v9;
	s28 =	sadd.s32 $0x80, s28  }
0x4e: {  	[tilespmem:s29+$0x0] =	vst v6  }
0x4f: {  	[tilespmem:s29+$0x10] =	vst v5  }
0x50: {  	v49 =	vld [tilespmem:s28+$0x430];
	[tilespmem:s29+$0x20] =	vst v3  }
0x51: {  	v50 =	vld [tilespmem:s28+$0xFFFFFFD0];
	[tilespmem:s29+$0x30] =	vst v4  }
0x52: {  	v51 =	vld [tilespmem:s28+$0xFFFFFFE0];
	[tilespmem:s29+$0x40] =	vst v1  }
0x53: {  	v52 =	vld [tilespmem:s28+$0xFFFFFFF0];
	[tilespmem:s29+$0x50] =	vst v2  }
0x54: {  	s30 =	sand.u32 $0x80, s31;
	s31 =	sadd.s32 $0x800, s29;
	v53 =	vld [tilespmem:s28+$0x0];
	[tilespmem:s29+$0xFFFFFBF0] =	vst v7  }
0x55: {  	v54 =	vld [tilespmem:s28+$0x10];
	[tilespmem:s31+$0x60] =	vst v49  }
0x56: {  	v55 =	vld [tilespmem:s28+$0x20];
	[tilespmem:s31+$0xFFFFFC00] =	vst v50  }
0x57: {  	v56 =	vld [tilespmem:s28+$0x30];
	[tilespmem:s31+$0xFFFFFC10] =	vst v51  }
0x58: {  	v57 =	vld [tilespmem:s28+$0x3D0];
	[tilespmem:s31+$0xFFFFFC20] =	vst v52  }
0x59: {  	v58 =	vld [tilespmem:s28+$0x3E0];
	[tilespmem:s31+$0xFFFFFC30] =	vst v53  }
0x5a: {  	v59 =	vld [tilespmem:s28+$0x3F0];
	[tilespmem:s31+$0xFFFFFC40] =	vst v54  }
0x5b: {  	v60 =	vld [tilespmem:s28+$0x400];
	[tilespmem:s31+$0xFFFFFC50] =	vst v55  }
0x5c: {  	v61 =	vld [tilespmem:s28+$0xFFFFFFC0];
	[tilespmem:s31+$0xFFFFFC60] =	vst v56  }
0x5d: {  	s1 =	sadd.s32 s1, s22;
	v62 =	vld [tilespmem:s28+$0x410];
	[tilespmem:s31+$0x0] =	vst v57  }
0x5e: {  	v63 =	vld [tilespmem:s28+$0x420];
	s26 =	sadd.s32 $0x1, s26;
	s1 =	sadd.s32 s30, s1;
	[tilespmem:s31+$0x10] =	vst v58  }
0x5f: {  	p1 =	sne.s32 s26, $0x8;
	v0 =	vld.idx.msk [tilespmem:v0+s1+$0x400 ss:$0x1], $0xffff;
	[tilespmem:s31+$0x20] =	vst v59  }
.Ltmp4:
0x60: {  	[tilespmem:s31+$0x30] =	vst v60;
	(pc) =	sbr.rel @p1 .LBB1_3-.Ltmp4, $4  }
0x61: {  	[tilespmem:s31+$0xFFFFFBF0] =	vst v61  }
0x62: {  	[tilespmem:s31+$0x40] =	vst v62  }
0x63: {  	s27 =	sadd.s32 $0x800, s27;
	s20 =	sadd.s32 $0x800, s20;
	[tilespmem:s31+$0x50] =	vst v63  }
0x64: {  	s25 =	sadd.s32 $0x80, s25;
	p0 =	por !p0, !p0;
	s21 =	sadd.s32 $0x80, s21;
	[tilespmem:s27+$0x0] =	vst v0  }
0x65: {  	s1 =	sand.u32 $0x78, s15  }
0x66: {  	s20 =	sshll.u32 s18, $0x9;
	s21 =	sshll.u32 s15, $0x3;
	s27 =	sshll.u32 s18, $0x7  }
0x67: {  	s17 =	sshll.u32 s17, $0x12;
	s16 =	sshll.u32 s16, $0xF;
	s30 =	sand.u32 $0x7, s15  }
0x68: {  	s20 =	sand.u32 $0x3F000, s20;
	s21 =	sand.u32 $0x3FC00, s21;
	s28 =	sand.u32 $0x200, s27  }
0x69: {  	s18 =	sand.u32 $0x180, s27;
	s17 =	sadd.s32 s3, s17;
	s20 =	sadd.s32 s20, s21  }
.Ltmp5:
0x6a: {  	s1 =	sor.u32 s18, s1;
	s20 =	sor.u32 s28, s20;
	(pc) =	sbr.rel .LBB1_7-.Ltmp5, $4  }
0x6b: {  	s16 =	sadd.s32 s16, s17;
	s1 =	sshrl.u32 s1, $0x3;
	s29 =	sshrl.u32 s20, $0x3  }
0x6c: {  	s15 =	sshll.u32 s30, $0x12;
	s1 =	sadd.s32 s1, s16;
	s31 =	sand.u32 $0x7FC0, s29  }
0x6d: {  	s15 =	sor.u32 $0x800, s15;
	s1 =	sadd.s32 s31, s1  }
0x6e: {  	[hbm4b:s1+s15] =	stream.strided.scatter [tilespmem:s19], [sflag:$0x2], $0x4000, s8, s15, $0x38;
	[tilespmem:$0x10000] =	vst v63  }
.LBB1_8:
0x6f: {  	_ =	sfence.sel $0x180000  }
0x70: {  	s1 =	simm.s32 $0x1;
	[bflag:$0x0] =	sbarrier.arrive $0xFFFF  }
0x71: {  	s31 =	simm.s32 $0x2;
	[sflag:s1] =	ssyncpa.u1 $0x1  }
0x72: {  	[sflag:s31] =	ssyncpa.u1 $0x1  }
0x73: {  	_ =	strace $0x90000050  }
0x74: {  	[bflag:$0x2] =	sbarrier.arrive $0xFFFF  }
0x75: {  	p0 =	sne.s32 s0, $0x0;
	s0 =	rddreg [dreg:$0x2]  }
0x76: {  	s0 =	sadd.s32 @!p0 $0x100000, s0  }
0x77: {  	[sflag:s0] =	ssyncadd.tile.s32 @!p0 $0x1;
	_ =	shalt  }
.Lfunc_end1:
_tile_overlayer_lowered:
.L_overlay_start_2:
0x78: {  	(tag) =	ssettag $0x2  }
0x79: {  	s0 =	rddreg [dreg:$0x0];
	s2 =	stileid.u32  }
0x7a: {  	s1 =	rddreg [dreg:$0x1];
	p0 =	sne.s32 s2, $0x0  }
0x7b: {  	s3 =	rddreg [dreg:$0x2];
	[bflag:$0x3] =	sbarrier.arrive $0xFFFF;
	s2 =	simm.s32 @!p0 $0x1C01  }
0x7c: {  	[timem:s3], [sflag:s2] =	dma.local @!p0 [hbm:s0], s1  }
0x7d: {  	s0 =	simm.s32 @!p0 $0x1  }
0x7e: {  	_ =	swait.ge @!p0 [sflag:s0], s1  }
0x7f: {  	s1 =	ssub.s32 @!p0 $0x0, s1;
	[sflag:s0] =	ssyncset.done @!p0 $0x0  }
0x80: {  	[sflag:s0] =	ssyncadd.s32 @!p0 s1  }
0x81: {  	[bflag:$0x3] =	sbarrier.arrive $0xFFFF  }
0x82: {  	_ =	shalt  }

// kernel: sparse-core-data-format-call.2.cloned.1.call-start
scs
called_computation.2_lowered:
.L_overlay_start_0:
0x0: {  	s2 =	sld [smem:$0x3FD9]  }
0x1: {  	s3 =	sld [smem:$0x3FFE];
	_ =	sdelay $0x1  }
0x2: {  	s1 =	srdreg.scid  }
0x3: {  	s0 =	sand.u32 $0x1, s1  }
0x4: {  	s17 =	sshll.u32 s0, $0xA;
	s2 =	sadd.s32 s3, s2  }
0x5: {  	s2 =	sadd.s32 s2, s17  }
0x6: {  	[smem:$0x3FB9] =	sst s2  }
0x7: {  	_ = 	snop  }
0x8: {  	s18 =	sld [smem:$0x3FD0];
	_ =	sdelay $0x2  }
0x9: {  	s4 =	simm.s32 $0xB;
	s5 =	simm.s32 $0x10;
	s2 =	sld [smem:$0x3FC8]  }
0xa: {  	[smem:s5], [sflag:s4] =	dma.local [hbm:s18], $0x1  }
0xb: {  	_ =	swait.eq [sflag:s4], $0x1  }
0xc: {  	[sflag:s4] =	ssyncset.done $0x0  }
0xd: {  	[sflag:s4] =	ssyncadd.s32 $0xFFFFFFFF  }
0xe: {  	s19 =	sld [smem:$0x11];
	(tm) =	ssettm $0x1  }
0xf: {  	s20 =	sld [smem:$0x3FFB];
	_ =	sdelay $0x3  }
0x10: {  	_ =	strace s20  }
0x11: {  	s3 =	sld [smem:$0x3FFC];
	_ =	sdelay $0x3  }
0x12: {  	_ =	strace s3  }
0x13: {  	s3 =	sld [smem:$0x3FFD];
	_ =	sdelay $0x3  }
0x14: {  	_ =	strace s3  }
0x15: {  	_ =	strace $0x8FFFFFFF  }
0x16: {  	s21 =	sld [smem:$0x3FDB];
	_ =	sdelay $0x1  }
0x17: {  	s22 =	simm.s32 $_scs_section_size  }
0x18: {  	s6 =	simm.s32 $_size__tile_overlayer_lowered;
	s7 =	simm.s32 $_tile_overlayer_lowered  }
0x19: {  	s8 =	simm.s32 $0x1BFF;
	s23 =	sshll.u32 s7, $0x1;
	s5 =	sadd.s32 s22, s21  }
0x1a: {  	s24 =	simm.s32 $0x0;
	s6 =	sshll.u32 s6, $0x1;
	s7 =	sadd.s32 s23, s5  }
0x1b: {  	[timem:s24], [sflag:s8] =	dma.local [hbm:s7], s6  }
0x1c: {  	_ =	swait.ge [sflag:s8], s6  }
0x1d: {  	s6 =	ssub.s32 $0x0, s6;
	[sflag:s8] =	ssyncset.done $0x0  }
0x1e: {  	[sflag:s8] =	ssyncadd.s32 s6;
	_ =	sdelay $0x1  }
0x1f: {  	s25 =	simm.s32 $0x1B8B  }
0x20: {  	_ =	swait.ge [sflag:s25], $0x1  }
0x21: {  	[sflag:s25] =	ssyncset.done $0x0  }
0x22: {  	[sflag:s25] =	ssyncadd.s32 $0xFFFFFFFF  }
0x23: {  	s6 =	sld [smem:$0x0]  }
0x24: {  	s7 =	sand.u32 $0xFFFFFFFE, s1  }
0x25: {  	p0 =	sne.s32 s1, s7  }
0x26: {  	s7 =	sshll.u32 @p0 s7, $0xE  }
0x27: {  	s7 =	sadd.s32 @p0 $0x11B8D, s7;
	s8 =	sshll.u32 @p0 s6, $0x11  }
0x28: {  	s7 =	sor.u32 @p0 s8, s7  }
0x29: {  	[sflag:s7] =	ssyncadd.remote.s32 @p0 $0x1;
	_ =	sdelay $0x1  }
0x2a: {  	s7 =	simm.s32 @p0 $0x1B8D  }
0x2b: {  	_ =	swait.eq @p0 [sflag:s7], $0x1  }
0x2c: {  	[sflag:s7] =	ssyncadd.s32 @p0 $0xFFFFFFFF  }
0x2d: {  	s8 =	sshll.u32 @!p0 s1, $0xE  }
0x2e: {  	s8 =	sor.u32 @!p0 $0x4000, s8;
	s7 =	simm.s32 @!p0 $0x1B8D  }
0x2f: {  	s6 =	sshll.u32 @!p0 s6, $0x11;
	s8 =	sadd.s32 @!p0 $0x11B8D, s8;
	_ =	swait.eq @!p0 [sflag:s7], $0x1  }
0x30: {  	s6 =	sor.u32 @!p0 s6, s8;
	[sflag:s7] =	ssyncadd.s32 @!p0 $0xFFFFFFFF  }
0x31: {  	s26 =	simm.s32 $0x1B8E;
	[sflag:s6] =	ssyncadd.remote.s32 @!p0 $0x1  }
0x32: {  	s27 =	simm.s32 $execute0_lowered;
	[smem:$0x3FD2] =	sst s26  }
0x33: {  	s6 =	sshll.u32 s27, $0x1;
	_ =	strace $0x80000049;
	[dreg:$0x1] =	wrdreg $0xFFFFFFFF  }
0x34: {  	s28 =	simm.s32 $_size_execute0_lowered;
	s5 =	sadd.s32 s5, s6;
	[dreg:$0x0] =	wrdreg $0x0  }
0x35: {  	s6 =	sshll.u32 s28, $0x1;
	[dreg:$0x2] =	wrdreg s5  }
0x36: {  	[dreg:$0x3] =	wrdreg s6  }
0x37: {  	[dreg:$0x4] =	wrdreg $0xC0  }
0x38: {  	_ =	task [dreg:s24], $0x5FFFF  }
0x39: {  	[dreg:$0x1] =	wrdreg $0xFFFFFFFF  }
0x3a: {  	[dreg:$0x0] =	wrdreg $0x60  }
0x3b: {  	[dreg:$0x2] =	wrdreg s2  }
0x3c: {  	[dreg:$0x3] =	wrdreg s19  }
0x3d: {  	[dreg:$0x4] =	wrdreg $0x9  }
0x3e: {  	_ =	task.clear_ibuf [dreg:s24], $0x5FFFF;
	_ =	strace $0x90000049  }
0x3f: {  	s29 =	simm.s32 $0x9;
	_ =	strace $0x8000004B  }
0x40: {  	_ =	swait.ge [sflag:s29], $0x1  }
0x41: {  	[sflag:s29] =	ssyncadd.s32 $0xFFFFFFFF  }
0x42: {  	_ =	strace $0x9000004B  }
0x43: {  	_ =	sfence  }
0x44: {  	s30 =	sld [smem:$0x0];
	_ =	sdelay $0x2  }
0x45: {  	s31 =	sshll.u32 s1, $0xD;
	s1 =	sshrl.u32 s1, $0x2  }
0x46: {  	s4 =	sand.u32 $0x4000, s31;
	s1 =	sadd.s32 s1, s30  }
0x47: {  	s0 =	sor.u32 s4, s0;
	s1 =	sshll.u32 s1, $0x11  }
0x48: {  	s0 =	sor.u32 s1, s0  }
0x49: {  	s0 =	sadd.s32 $0x8F2B, s0  }
0x4a: {  	[sflag:s0] =	ssyncadd.remote.s32 $0x1  }
0x4b: {  	_ =	sfence.sel $0xFFFF  }
0x4c: {  	[dreg:$0x0] =	wrdreg $0xFFFFFFFF;
	(pc) =	sbr.abs _section_cstart, $3  }
0x4d: {  	[dreg:$0x1] =	wrdreg $0xFFFFFFFF  }
0x4e: {  	_ =	task.clear_ibuf [dreg:s24], $0x2FFFF;
	_ =	strace $0x9FFFFFFF  }
0x4f: {  	(tm) =	ssettm $0x7FFFFFFF  }
tec
execute0_lowered:
.L_overlay_start_1:
0x0: {  	(tag) =	ssettag $0x1  }
0x1: {  	s0 =	stileid.u32  }
0x2: {  	s1 =	srdreg.scid;
	s3 =	rddreg [dreg:$0x0]  }
0x3: {  	s5 =	simm.s32 $0x1;
	s2 =	sshll.u32 s0, $0x4;
	s1 =	sshll.u32 s1, $0x8  }
0x4: {  	s8 =	simm.s32 $0x2;
	s16 =	simm.s32 $0x0;
	s1 =	sor.u32 s2, s1  }
0x5: {  	s9 =	simm.s32 $0x1000;
	s10 =	simm.s32 $0x0;
	s2 =	sand.u32 $0x180, s1  }
0x6: {  	s17 =	simm.s32 $0x0;
	s19 =	simm.s32 $0x0;
	s1 =	ssub.s32 $0x200, s2  }
0x7: {  	s18 =	simm.s32 $0x0;
	s11 =	simm.s32 $0x0;
	s4 =	sand.u32 $0x180, s1  }
0x8: {  	s14 =	simm.s32 $0x0;
	s6 =	sshrl.u32 s1, $0x9;
	p0 =	sne.s32 s4, $0x0  }
.Ltmp0:
0x9: {  	s1 =	rddreg [dreg:$0x2];
	s5 =	simm.s32 @!p0 $0x0;
	(pc) =	sbr.rel .LBB1_1-.Ltmp0, $4  }
0xa: {  	s7 =	sand.u32 $0x7, s0;
	s4 =	rddreg [dreg:$0x1];
	s6 =	sadd.s32 s5, s6  }
0xb: {  	_ =	strace $0x8000004A;
	s5 =	simm.s32 $0x1;
	s6 =	smul.u32 $0x30, s6  }
0xc: {  	s15 =	simm.s32 $0x0;
	s13 =	smov.u32 s7;
	[sflag:s5] =	ssyncpa.u1 $0x0  }
0xd: {  	s12 =	smov.u32 s2;
	[sflag:s8] =	ssyncpa.u1 $0x0;
	s8 =	sor.u32 $0x1, s6  }
.LBB1_4:
0xe: {  	_ =	sdelay $0x3  }
0xf: {  	[tilespmem:v0+s22+$0xFFFFFFA0 ss:$0x1] =	vst.idx.msk $0xffff, v6  }
0x10: {  	v56 =	vld.idx.msk [tilespmem:v1+s21+$0x30 ss:$0x1], $0xffff;
	[tilespmem:v0+s22+$0xFFFFFFB0 ss:$0x1] =	vst.idx.msk $0xffff, v4  }
0x11: {  	v57 =	vld.idx.msk [tilespmem:v1+s21+$0xFFFFFFC0 ss:$0x1], $0xffff;
	[tilespmem:v0+s22+$0xFFFFFFC0 ss:$0x1] =	vst.idx.msk $0xffff, v2  }
0x12: {  	v58 =	vld.idx.msk [tilespmem:v1+s21+$0xFFFFFFD0 ss:$0x1], $0xffff;
	[tilespmem:v0+s22+$0xFFFFFFD0 ss:$0x1] =	vst.idx.msk $0xffff, v3  }
0x13: {  	v59 =	vld.idx.msk [tilespmem:v1+s21+$0xFFFFFFE0 ss:$0x1], $0xffff;
	[tilespmem:v0+s22+$0xFFFFFFE0 ss:$0x1] =	vst.idx.msk $0xffff, v5  }
0x14: {  	v60 =	vld.idx.msk [tilespmem:v1+s21+$0xFFFFFFF0 ss:$0x1], $0xffff;
	[tilespmem:v0+s22+$0xFFFFFFF0 ss:$0x1] =	vst.idx.msk $0xffff, v7  }
0x15: {  	v61 =	vld.idx.msk [tilespmem:v1+s21+$0x0 ss:$0x1], $0xffff;
	[tilespmem:v0+s21+$0x0 ss:$0x1] =	vst.idx.msk $0xffff, v56  }
0x16: {  	v62 =	vld.idx.msk [tilespmem:v1+s21+$0x10 ss:$0x1], $0xffff;
	[tilespmem:v0+s21+$0xFFFFFF90 ss:$0x1] =	vst.idx.msk $0xffff, v57  }
0x17: {  	s19 =	sshll.u32 s19, $0x7;
	v63 =	vld.idx.msk [tilespmem:v1+s21+$0x20 ss:$0x1], $0xffff;
	s29 =	sand.u32 $0x78, s16;
	[tilespmem:v0+s21+$0xFFFFFFA0 ss:$0x1] =	vst.idx.msk $0xffff, v58  }
0x18: {  	s30 =	sshll.u32 s16, $0x3;
	s18 =	sshll.u32 s18, $0x12;
	s19 =	sand.u32 $0x380, s19;
	[tilespmem:v0+s21+$0xFFFFFFB0 ss:$0x1] =	vst.idx.msk $0xffff, v59  }
0x19: {  	s17 =	sshll.u32 s17, $0x9;
	s22 =	sand.u32 $0xC00, s30;
	s19 =	sor.u32 s29, s19;
	[tilespmem:v0+s21+$0xFFFFFFC0 ss:$0x1] =	vst.idx.msk $0xffff, v60  }
0x1a: {  	s31 =	sand.u32 $0x7, s16;
	s18 =	sadd.s32 s4, s18;
	s19 =	sor.u32 s22, s19;
	[tilespmem:v0+s21+$0xFFFFFFD0 ss:$0x1] =	vst.idx.msk $0xffff, v61  }
0x1b: {  	s16 =	sshll.u32 s31, $0x12;
	s17 =	sadd.s32 s17, s18;
	s19 =	sshrl.u32 s19, $0x3;
	[tilespmem:v0+s21+$0xFFFFFFE0 ss:$0x1] =	vst.idx.msk $0xffff, v62  }
0x1c: {  	s16 =	sor.u32 $0x80, s16;
	[tilespmem:v0+s21+$0xFFFFFFF0 ss:$0x1] =	vst.idx.msk $0xffff, v63;
	s17 =	sadd.s32 s19, s17  }
0x1d: {  	[hbm4b:s17+s16] =	stream.strided.scatter [tilespmem:s20], [sflag:$0x2], $0x4000, s9, s16, $0x38;
	[tilespmem:$0x10000] =	vst v63  }
.LBB1_5:
0x1e: {  	s20 =	sadd.s32 $0x80, s11  }
0x1f: {  	s16 =	sadd.s32 $0x200, s12;
	s21 =	smov.u32 s12;
	p1 =	sgt.s32 s20, $0x1FF  }
0x20: {  	s21 =	smov.u32 @p1 s16  }
0x21: {  	s22 =	smov.u32 s13;
	s16 =	sadd.s32 $0x8, s13;
	p2 =	sgt.s32 s21, $0x1FF  }
0x22: {  	s22 =	smov.u32 @p2 s16  }
0x23: {  	s16 =	simm.s32 $0x1;
	p3 =	sgt.s32 s22, $0x7  }
0x24: {  	s16 =	simm.s32 @!p3 $0x0  }
0x25: {  	p0 =	slt.u32 s15, $0x2;
	s24 =	sadd.s32 s16, s14  }
0x26: {  	s17 =	smov.u32 s12;
	s20 =	simm.s32 @p1 $0x0;
	p1 =	sgt.s32 s24, $0xB  }
0x27: {  	s23 =	simm.s32 @!p0 $0x2;
	s24 =	simm.s32 @p1 $0x0;
	p1 =	sne.s32 s15, s8  }
.Ltmp1:
0x28: {  	s19 =	smov.u32 s13;
	_ =	swait.ge @!p0 [sflag:s23], $0x4000;
	(pc) =	sbr.rel @!p1 .LBB1_6-.Ltmp1, $4  }
0x29: {  	s18 =	smov.u32 s14;
	[sflag:s23] =	ssyncset.done @!p0 $0x0;
	s21 =	smov.u32 @p2 s2  }
0x2a: {  	s10 =	sadd.s32 $0x4000, s10;
	[sflag:s23] =	ssyncadd.s32 @!p0 $0xFFFFC000;
	s12 =	smov.u32 s21  }
0x2b: {  	s22 =	smov.u32 @p3 s7;
	s16 =	smov.u32 s11;
	s11 =	smov.u32 s20  }
0x2c: {  	s13 =	smov.u32 s22;
	s15 =	sadd.s32 $0x1, s15;
	s14 =	smov.u32 s24  }
.LBB1_1:
0x2d: {  	p0 =	sge.u32 s15, s6;
	s31 =	sadd.s32 $0xFFFFFFFF, s15  }
0x2e: {  	s20 =	sxor.u32 @!p0 $0xFFFFFFFF, s15;
	s21 =	sand.u32 @!p0 $0x78, s11;
	s22 =	sshll.u32 @!p0 s12, $0x9  }
0x2f: {  	s23 =	sshll.u32 @!p0 s11, $0x3;
	s24 =	sshll.u32 @!p0 s12, $0x7;
	s20 =	sshll.u32 @!p0 s20, $0xE  }
0x30: {  	s22 =	sand.u32 @!p0 $0x3F000, s22;
	s23 =	sand.u32 @!p0 $0x3FC00, s23;
	s20 =	sand.u32 @!p0 $0x4000, s20  }
0x31: {  	s22 =	sadd.s32 @!p0 s22, s23;
	s23 =	sand.u32 @!p0 $0x200, s24;
	s24 =	sand.u32 @!p0 $0x180, s24  }
0x32: {  	s22 =	sor.u32 @!p0 s23, s22;
	s21 =	sor.u32 @!p0 s21, s24;
	s23 =	sshll.u32 @!p0 s14, $0x12  }
0x33: {  	s24 =	sshll.u32 @!p0 s13, $0xF;
	s22 =	sshrl.u32 @!p0 s22, $0x3;
	s23 =	sadd.s32 @!p0 s3, s23  }
0x34: {  	s21 =	sshrl.u32 @!p0 s21, $0x3;
	s23 =	sadd.s32 @!p0 s24, s23;
	s24 =	sand.u32 @!p0 $0x7, s11  }
0x35: {  	s22 =	sand.u32 @!p0 $0x7FC0, s22;
	s21 =	sadd.s32 @!p0 s21, s23;
	s23 =	sshll.u32 @!p0 s24, $0x12  }
0x36: {  	s21 =	sadd.s32 @!p0 s22, s21;
	s22 =	sor.u32 @!p0 $0x400, s23;
	s23 =	simm.s32 @!p0 $0x1000  }
0x37: {  	[tilespmem:s20], [sflag:$0x1] =	stream.strided.gather @!p0 [hbm4b:s21+s22], $0x4000, s23, s22, $0x38;
	[tilespmem:$0x10000] =	vst v63  }
0x38: {  	p0 =	sge.u32 s31, s6  }
.Ltmp2:
0x39: {  	_ = 	snop;
	(pc) =	sbr.rel @p0 .LBB1_5-.Ltmp2, $1  }
0x3a: {  	_ =	sdelay $0x3  }
0x3b: {  	s20 =	sand.u32 $0x4000, s10  }
0x3c: {  	s21 =	sor.u32 $0x40, s20  }
0x3d: {  	v1 =	vmov s21;
	_ =	sdelay $0x1  }
0x3e: {  	_ =	swait.ge [sflag:s5], $0x4000  }
0x3f: {  	[sflag:s5] =	ssyncset.done $0x0  }
0x40: {  	s22 =	simm.s32 $0x0;
	[sflag:s5] =	ssyncadd.s32 $0xFFFFC000  }
0x41: {  	s20 =	sor.u32 $0x8070, s20;
	v7 =	vld.idx.msk [tilespmem:v1+s22+$0x30 ss:$0x1], $0xffff  }
0x42: {  	v0 =	vmov s20;
	v8 =	vld.idx.msk [tilespmem:v1+s22+$0xFFFFFFC0 ss:$0x1], $0xffff  }
0x43: {  	v6 =	vld.idx.msk [tilespmem:v1+s22+$0xFFFFFFD0 ss:$0x1], $0xffff  }
0x44: {  	v4 =	vld.idx.msk [tilespmem:v1+s22+$0xFFFFFFE0 ss:$0x1], $0xffff  }
0x45: {  	v2 =	vld.idx.msk [tilespmem:v1+s22+$0xFFFFFFF0 ss:$0x1], $0xffff  }
0x46: {  	s31 =	sshll.u32 s15, $0xE;
	v3 =	vld.idx.msk [tilespmem:v1+s22+$0x0 ss:$0x1], $0xffff  }
0x47: {  	s20 =	sand.u32 $0x4000, s31;
	v5 =	vld.idx.msk [tilespmem:v1+s22+$0x10 ss:$0x1], $0xffff;
	[tilespmem:v0+s22+$0x0 ss:$0x1] =	vst.idx.msk $0xffff, v7  }
0x48: {  	s23 =	simm.s32 $0x400;
	s21 =	simm.s32 $0x80;
	s20 =	sor.u32 $0x8000, s20;
	[tilespmem:v0+s22+$0xFFFFFF90 ss:$0x1] =	vst.idx.msk $0xffff, v8;
	v7 =	vld.idx.msk [tilespmem:v1+s22+$0x20 ss:$0x1], $0xffff  }
.LBB1_3:
0x49: {  	p0 =	sne.s32 s23, $0xFE00;
	v8 =	vld.idx.msk [tilespmem:v1+s21+$0x30 ss:$0x1], $0xffff;
	[tilespmem:v0+s22+$0xFFFFFFA0 ss:$0x1] =	vst.idx.msk $0xffff, v6  }
0x4a: {  	v9 =	vld.idx.msk [tilespmem:v1+s21+$0xFFFFFFC0 ss:$0x1], $0xffff;
	[tilespmem:v0+s22+$0xFFFFFFB0 ss:$0x1] =	vst.idx.msk $0xffff, v4  }
0x4b: {  	v6 =	vld.idx.msk [tilespmem:v1+s21+$0xFFFFFFD0 ss:$0x1], $0xffff;
	[tilespmem:v0+s22+$0xFFFFFFC0 ss:$0x1] =	vst.idx.msk $0xffff, v2  }
.Ltmp3:
0x4c: {  	v4 =	vld.idx.msk [tilespmem:v1+s21+$0xFFFFFFE0 ss:$0x1], $0xffff;
	[tilespmem:v0+s22+$0xFFFFFFD0 ss:$0x1] =	vst.idx.msk $0xffff, v3;
	(pc) =	sbr.rel @p0 .LBB1_3-.Ltmp3, $4  }
0x4d: {  	v2 =	vld.idx.msk [tilespmem:v1+s21+$0xFFFFFFF0 ss:$0x1], $0xffff;
	[tilespmem:v0+s22+$0xFFFFFFE0 ss:$0x1] =	vst.idx.msk $0xffff, v5  }
0x4e: {  	v3 =	vld.idx.msk [tilespmem:v1+s21+$0x0 ss:$0x1], $0xffff;
	[tilespmem:v0+s22+$0xFFFFFFF0 ss:$0x1] =	vst.idx.msk $0xffff, v7;
	s22 =	smov.u32 s21  }
0x4f: {  	v5 =	vld.idx.msk [tilespmem:v1+s22+$0x10 ss:$0x1], $0xffff;
	[tilespmem:v0+s22+$0x0 ss:$0x1] =	vst.idx.msk $0xffff, v8  }
0x50: {  	s21 =	sshra.s32 s23, $0x2;
	s23 =	sadd.s32 $0x200, s23;
	[tilespmem:v0+s22+$0xFFFFFF90 ss:$0x1] =	vst.idx.msk $0xffff, v9;
	v7 =	vld.idx.msk [tilespmem:v1+s22+$0x20 ss:$0x1], $0xffff  }
.Ltmp4:
0x51: {  	_ = 	snop;
	(pc) =	sbr.rel .LBB1_4-.Ltmp4, $1  }
0x52: {  	_ =	sdelay $0x3  }
.LBB1_6:
0x53: {  	_ =	sfence.sel $0x180000  }
0x54: {  	s2 =	simm.s32 $0x1;
	[bflag:$0x0] =	sbarrier.arrive $0xFFFF  }
0x55: {  	s31 =	simm.s32 $0x2;
	[sflag:s2] =	ssyncpa.u1 $0x1  }
0x56: {  	[sflag:s31] =	ssyncpa.u1 $0x1  }
0x57: {  	p0 =	sne.s32 s0, $0x0;
	_ =	strace $0x9000004A  }
0x58: {  	s0 =	sadd.s32 @!p0 $0x100000, s1;
	[bflag:$0x2] =	sbarrier.arrive $0xFFFF  }
0x59: {  	[sflag:s0] =	ssyncadd.tile.s32 @!p0 $0x1;
	_ =	shalt  }
.Lfunc_end1:
_tile_overlayer_lowered:
.L_overlay_start_2:
0x5a: {  	(tag) =	ssettag $0x2  }
0x5b: {  	s0 =	rddreg [dreg:$0x0];
	s2 =	stileid.u32  }
0x5c: {  	s1 =	rddreg [dreg:$0x1];
	p0 =	sne.s32 s2, $0x0  }
0x5d: {  	s3 =	rddreg [dreg:$0x2];
	[bflag:$0x3] =	sbarrier.arrive $0xFFFF;
	s2 =	simm.s32 @!p0 $0x1C01  }
0x5e: {  	[timem:s3], [sflag:s2] =	dma.local @!p0 [hbm:s0], s1  }
0x5f: {  	s0 =	simm.s32 @!p0 $0x1  }
0x60: {  	_ =	swait.ge @!p0 [sflag:s0], s1  }
0x61: {  	s1 =	ssub.s32 @!p0 $0x0, s1;
	[sflag:s0] =	ssyncset.done @!p0 $0x0  }
0x62: {  	[sflag:s0] =	ssyncadd.s32 @!p0 s1  }
0x63: {  	[bflag:$0x3] =	sbarrier.arrive $0xFFFF  }
0x64: {  	_ =	shalt  }

// kernel: sparse-core-data-format-call.3.cloned.1.call-start
scs
called_computation.3_lowered:
.L_overlay_start_0:
0x0: {  	s2 =	sld [smem:$0x3FD9]  }
0x1: {  	s3 =	sld [smem:$0x3FFE];
	_ =	sdelay $0x1  }
0x2: {  	s1 =	srdreg.scid  }
0x3: {  	s0 =	sand.u32 $0x1, s1  }
0x4: {  	s16 =	sshll.u32 s0, $0xA;
	s2 =	sadd.s32 s3, s2  }
0x5: {  	s2 =	sadd.s32 s2, s16  }
0x6: {  	[smem:$0x3FB9] =	sst s2  }
0x7: {  	_ = 	snop  }
0x8: {  	s2 =	sld [smem:$0x3FD0];
	_ =	sdelay $0x2  }
0x9: {  	s4 =	simm.s32 $0xB;
	s5 =	simm.s32 $0x10;
	s17 =	sld [smem:$0x3FC9]  }
0xa: {  	[smem:s5], [sflag:s4] =	dma.local [hbm:s2], $0x1  }
0xb: {  	_ =	swait.eq [sflag:s4], $0x1  }
0xc: {  	[sflag:s4] =	ssyncset.done $0x0  }
0xd: {  	[sflag:s4] =	ssyncadd.s32 $0xFFFFFFFF  }
0xe: {  	s18 =	sld [smem:$0x10];
	(tm) =	ssettm $0x1  }
0xf: {  	s19 =	sld [smem:$0x3FFB];
	_ =	sdelay $0x3  }
0x10: {  	_ =	strace s19  }
0x11: {  	s4 =	sld [smem:$0x3FFC];
	_ =	sdelay $0x3  }
0x12: {  	_ =	strace s4  }
0x13: {  	s4 =	sld [smem:$0x3FFD];
	_ =	sdelay $0x3  }
0x14: {  	_ =	strace s4  }
0x15: {  	_ =	strace $0x8FFFFFFF  }
0x16: {  	s20 =	sld [smem:$0x3FDB];
	_ =	sdelay $0x1  }
0x17: {  	s21 =	simm.s32 $_scs_section_size  }
0x18: {  	s6 =	simm.s32 $_size__tile_overlayer_lowered;
	s7 =	simm.s32 $_tile_overlayer_lowered  }
0x19: {  	s24 =	simm.s32 $0x1BFF;
	s23 =	sshll.u32 s7, $0x1;
	s4 =	sadd.s32 s21, s20  }
0x1a: {  	s8 =	simm.s32 $0x0;
	s22 =	sshll.u32 s6, $0x1;
	s6 =	sadd.s32 s23, s4  }
0x1b: {  	[timem:s8], [sflag:s24] =	dma.local [hbm:s6], s22  }
0x1c: {  	_ =	swait.ge [sflag:s24], s22  }
0x1d: {  	s5 =	ssub.s32 $0x0, s22;
	[sflag:s24] =	ssyncset.done $0x0  }
0x1e: {  	[sflag:s24] =	ssyncadd.s32 s5;
	_ =	sdelay $0x1  }
0x1f: {  	s25 =	simm.s32 $0x1B8B  }
0x20: {  	_ =	swait.ge [sflag:s25], $0x1  }
0x21: {  	[sflag:s25] =	ssyncset.done $0x0  }
0x22: {  	s26 =	simm.s32 $0x1B8E;
	[sflag:s25] =	ssyncadd.s32 $0xFFFFFFFF  }
0x23: {  	s27 =	simm.s32 $execute0_lowered;
	[smem:$0x3FD2] =	sst s26  }
0x24: {  	s5 =	sshll.u32 s27, $0x1;
	_ =	strace $0x80000046;
	[dreg:$0x1] =	wrdreg $0xFFFFFFFF  }
0x25: {  	s28 =	simm.s32 $_size_execute0_lowered;
	s4 =	sadd.s32 s4, s5;
	[dreg:$0x0] =	wrdreg $0x0  }
0x26: {  	s5 =	sshll.u32 s28, $0x1;
	[dreg:$0x2] =	wrdreg s4  }
0x27: {  	[dreg:$0x3] =	wrdreg s5  }
0x28: {  	[dreg:$0x4] =	wrdreg $0xC0  }
0x29: {  	_ =	task [dreg:s8], $0x5FFFF  }
0x2a: {  	[dreg:$0x1] =	wrdreg $0xFFFFFFFF  }
0x2b: {  	[dreg:$0x0] =	wrdreg $0x60  }
0x2c: {  	[dreg:$0x2] =	wrdreg s17  }
0x2d: {  	[dreg:$0x3] =	wrdreg s18  }
0x2e: {  	[dreg:$0x4] =	wrdreg $0xA  }
0x2f: {  	_ =	task.clear_ibuf [dreg:s8], $0x5FFFF;
	_ =	strace $0x90000046  }
0x30: {  	s29 =	simm.s32 $0xA;
	_ =	strace $0x80000048  }
0x31: {  	_ =	swait.ge [sflag:s29], $0x1  }
0x32: {  	[sflag:s29] =	ssyncadd.s32 $0xFFFFFFFF  }
0x33: {  	_ =	strace $0x90000048  }
0x34: {  	_ =	sfence  }
0x35: {  	s30 =	sld [smem:$0x0];
	_ =	sdelay $0x2  }
0x36: {  	s31 =	sshll.u32 s1, $0xD;
	s1 =	sshrl.u32 s1, $0x2  }
0x37: {  	s3 =	sand.u32 $0x4000, s31;
	s1 =	sadd.s32 s1, s30  }
0x38: {  	s0 =	sor.u32 s3, s0;
	s1 =	sshll.u32 s1, $0x11  }
0x39: {  	s0 =	sor.u32 s1, s0  }
0x3a: {  	s0 =	sadd.s32 $0x8F2B, s0  }
0x3b: {  	[sflag:s0] =	ssyncadd.remote.s32 $0x1  }
0x3c: {  	_ =	sfence.sel $0xFFFF  }
0x3d: {  	[dreg:$0x0] =	wrdreg $0xFFFFFFFF;
	(pc) =	sbr.abs _section_cstart, $3  }
0x3e: {  	[dreg:$0x1] =	wrdreg $0xFFFFFFFF  }
0x3f: {  	_ =	task.clear_ibuf [dreg:s8], $0x2FFFF;
	_ =	strace $0x9FFFFFFF  }
0x40: {  	(tm) =	ssettm $0x7FFFFFFF  }
0x41: {  	_ =	shalt  }
tec
execute0_lowered:
.L_overlay_start_1:
0x0: {  	(tag) =	ssettag $0x1  }
0x1: {  	s0 =	stileid.u32  }
0x2: {  	s1 =	srdreg.scid;
	s3 =	rddreg [dreg:$0x0]  }
0x3: {  	s5 =	simm.s32 $0x1;
	s2 =	sshll.u32 s0, $0x4;
	s1 =	sshll.u32 s1, $0x8  }
0x4: {  	s8 =	simm.s32 $0x2;
	s16 =	simm.s32 $0x0;
	s1 =	sor.u32 s2, s1  }
0x5: {  	s9 =	simm.s32 $0x1000;
	s10 =	simm.s32 $0x0;
	s2 =	sand.u32 $0x180, s1  }
0x6: {  	s17 =	simm.s32 $0x0;
	s19 =	simm.s32 $0x0;
	s1 =	ssub.s32 $0x200, s2  }
0x7: {  	s18 =	simm.s32 $0x0;
	s11 =	simm.s32 $0x0;
	s4 =	sand.u32 $0x180, s1  }
0x8: {  	s14 =	simm.s32 $0x0;
	s6 =	sshrl.u32 s1, $0x9;
	p0 =	sne.s32 s4, $0x0  }
.Ltmp0:
0x9: {  	s1 =	rddreg [dreg:$0x2];
	s5 =	simm.s32 @!p0 $0x0;
	(pc) =	sbr.rel .LBB1_1-.Ltmp0, $4  }
0xa: {  	s7 =	sand.u32 $0x7, s0;
	s4 =	rddreg [dreg:$0x1];
	s6 =	sadd.s32 s5, s6  }
0xb: {  	_ =	strace $0x80000047;
	s5 =	simm.s32 $0x1;
	s6 =	smul.u32 $0x30, s6  }
0xc: {  	s15 =	simm.s32 $0x0;
	s13 =	smov.u32 s7;
	[sflag:s5] =	ssyncpa.u1 $0x0  }
0xd: {  	s12 =	smov.u32 s2;
	[sflag:s8] =	ssyncpa.u1 $0x0;
	s8 =	sor.u32 $0x1, s6  }
.LBB1_4:
0xe: {  	_ =	sdelay $0x3  }
0xf: {  	[tilespmem:v0+s22+$0xFFFFFFA0 ss:$0x1] =	vst.idx.msk $0xffff, v6  }
0x10: {  	v56 =	vld.idx.msk [tilespmem:v1+s21+$0x30 ss:$0x1], $0xffff;
	[tilespmem:v0+s22+$0xFFFFFFB0 ss:$0x1] =	vst.idx.msk $0xffff, v4  }
0x11: {  	v57 =	vld.idx.msk [tilespmem:v1+s21+$0xFFFFFFC0 ss:$0x1], $0xffff;
	[tilespmem:v0+s22+$0xFFFFFFC0 ss:$0x1] =	vst.idx.msk $0xffff, v2  }
0x12: {  	v58 =	vld.idx.msk [tilespmem:v1+s21+$0xFFFFFFD0 ss:$0x1], $0xffff;
	[tilespmem:v0+s22+$0xFFFFFFD0 ss:$0x1] =	vst.idx.msk $0xffff, v3  }
0x13: {  	v59 =	vld.idx.msk [tilespmem:v1+s21+$0xFFFFFFE0 ss:$0x1], $0xffff;
	[tilespmem:v0+s22+$0xFFFFFFE0 ss:$0x1] =	vst.idx.msk $0xffff, v5  }
0x14: {  	v60 =	vld.idx.msk [tilespmem:v1+s21+$0xFFFFFFF0 ss:$0x1], $0xffff;
	[tilespmem:v0+s22+$0xFFFFFFF0 ss:$0x1] =	vst.idx.msk $0xffff, v7  }
0x15: {  	v61 =	vld.idx.msk [tilespmem:v1+s21+$0x0 ss:$0x1], $0xffff;
	[tilespmem:v0+s21+$0x0 ss:$0x1] =	vst.idx.msk $0xffff, v56  }
0x16: {  	v62 =	vld.idx.msk [tilespmem:v1+s21+$0x10 ss:$0x1], $0xffff;
	[tilespmem:v0+s21+$0xFFFFFF90 ss:$0x1] =	vst.idx.msk $0xffff, v57  }
0x17: {  	s19 =	sshll.u32 s19, $0x7;
	v63 =	vld.idx.msk [tilespmem:v1+s21+$0x20 ss:$0x1], $0xffff;
	s29 =	sand.u32 $0x78, s16;
	[tilespmem:v0+s21+$0xFFFFFFA0 ss:$0x1] =	vst.idx.msk $0xffff, v58  }
0x18: {  	s30 =	sshll.u32 s16, $0x3;
	s18 =	sshll.u32 s18, $0x12;
	s19 =	sand.u32 $0x380, s19;
	[tilespmem:v0+s21+$0xFFFFFFB0 ss:$0x1] =	vst.idx.msk $0xffff, v59  }
0x19: {  	s17 =	sshll.u32 s17, $0x9;
	s22 =	sand.u32 $0xC00, s30;
	s19 =	sor.u32 s29, s19;
	[tilespmem:v0+s21+$0xFFFFFFC0 ss:$0x1] =	vst.idx.msk $0xffff, v60  }
0x1a: {  	s31 =	sand.u32 $0x7, s16;
	s18 =	sadd.s32 s4, s18;
	s19 =	sor.u32 s22, s19;
	[tilespmem:v0+s21+$0xFFFFFFD0 ss:$0x1] =	vst.idx.msk $0xffff, v61  }
0x1b: {  	s16 =	sshll.u32 s31, $0x12;
	s17 =	sadd.s32 s17, s18;
	s19 =	sshrl.u32 s19, $0x3;
	[tilespmem:v0+s21+$0xFFFFFFE0 ss:$0x1] =	vst.idx.msk $0xffff, v62  }
0x1c: {  	s16 =	sor.u32 $0x80, s16;
	[tilespmem:v0+s21+$0xFFFFFFF0 ss:$0x1] =	vst.idx.msk $0xffff, v63;
	s17 =	sadd.s32 s19, s17  }
0x1d: {  	[hbm4b:s17+s16] =	stream.strided.scatter [tilespmem:s20], [sflag:$0x2], $0x4000, s9, s16, $0x38;
	[tilespmem:$0x10000] =	vst v63  }
.LBB1_5:
0x1e: {  	s20 =	sadd.s32 $0x80, s11  }
0x1f: {  	s16 =	sadd.s32 $0x200, s12;
	s21 =	smov.u32 s12;
	p1 =	sgt.s32 s20, $0x1FF  }
0x20: {  	s21 =	smov.u32 @p1 s16  }
0x21: {  	s22 =	smov.u32 s13;
	s16 =	sadd.s32 $0x8, s13;
	p2 =	sgt.s32 s21, $0x1FF  }
0x22: {  	s22 =	smov.u32 @p2 s16  }
0x23: {  	s16 =	simm.s32 $0x1;
	p3 =	sgt.s32 s22, $0x7  }
0x24: {  	s16 =	simm.s32 @!p3 $0x0  }
0x25: {  	p0 =	slt.u32 s15, $0x2;
	s24 =	sadd.s32 s16, s14  }
0x26: {  	s17 =	smov.u32 s12;
	s20 =	simm.s32 @p1 $0x0;
	p1 =	sgt.s32 s24, $0xB  }
0x27: {  	s23 =	simm.s32 @!p0 $0x2;
	s24 =	simm.s32 @p1 $0x0;
	p1 =	sne.s32 s15, s8  }
.Ltmp1:
0x28: {  	s19 =	smov.u32 s13;
	_ =	swait.ge @!p0 [sflag:s23], $0x4000;
	(pc) =	sbr.rel @!p1 .LBB1_6-.Ltmp1, $4  }
0x29: {  	s18 =	smov.u32 s14;
	[sflag:s23] =	ssyncset.done @!p0 $0x0;
	s21 =	smov.u32 @p2 s2  }
0x2a: {  	s10 =	sadd.s32 $0x4000, s10;
	[sflag:s23] =	ssyncadd.s32 @!p0 $0xFFFFC000;
	s12 =	smov.u32 s21  }
0x2b: {  	s22 =	smov.u32 @p3 s7;
	s16 =	smov.u32 s11;
	s11 =	smov.u32 s20  }
0x2c: {  	s13 =	smov.u32 s22;
	s15 =	sadd.s32 $0x1, s15;
	s14 =	smov.u32 s24  }
.LBB1_1:
0x2d: {  	p0 =	sge.u32 s15, s6;
	s31 =	sadd.s32 $0xFFFFFFFF, s15  }
0x2e: {  	s20 =	sxor.u32 @!p0 $0xFFFFFFFF, s15;
	s21 =	sand.u32 @!p0 $0x78, s11;
	s22 =	sshll.u32 @!p0 s12, $0x9  }
0x2f: {  	s23 =	sshll.u32 @!p0 s11, $0x3;
	s24 =	sshll.u32 @!p0 s12, $0x7;
	s20 =	sshll.u32 @!p0 s20, $0xE  }
0x30: {  	s22 =	sand.u32 @!p0 $0x3F000, s22;
	s23 =	sand.u32 @!p0 $0x3FC00, s23;
	s20 =	sand.u32 @!p0 $0x4000, s20  }
0x31: {  	s22 =	sadd.s32 @!p0 s22, s23;
	s23 =	sand.u32 @!p0 $0x200, s24;
	s24 =	sand.u32 @!p0 $0x180, s24  }
0x32: {  	s22 =	sor.u32 @!p0 s23, s22;
	s21 =	sor.u32 @!p0 s21, s24;
	s23 =	sshll.u32 @!p0 s14, $0x12  }
0x33: {  	s24 =	sshll.u32 @!p0 s13, $0xF;
	s22 =	sshrl.u32 @!p0 s22, $0x3;
	s23 =	sadd.s32 @!p0 s3, s23  }
0x34: {  	s21 =	sshrl.u32 @!p0 s21, $0x3;
	s23 =	sadd.s32 @!p0 s24, s23;
	s24 =	sand.u32 @!p0 $0x7, s11  }
0x35: {  	s22 =	sand.u32 @!p0 $0x7FC0, s22;
	s21 =	sadd.s32 @!p0 s21, s23;
	s23 =	sshll.u32 @!p0 s24, $0x12  }
0x36: {  	s21 =	sadd.s32 @!p0 s22, s21;
	s22 =	sor.u32 @!p0 $0x400, s23;
	s23 =	simm.s32 @!p0 $0x1000  }
0x37: {  	[tilespmem:s20], [sflag:$0x1] =	stream.strided.gather @!p0 [hbm4b:s21+s22], $0x4000, s23, s22, $0x38;
	[tilespmem:$0x10000] =	vst v63  }
0x38: {  	p0 =	sge.u32 s31, s6  }
.Ltmp2:
0x39: {  	_ = 	snop;
	(pc) =	sbr.rel @p0 .LBB1_5-.Ltmp2, $1  }
0x3a: {  	_ =	sdelay $0x3  }
0x3b: {  	s20 =	sand.u32 $0x4000, s10  }
0x3c: {  	s21 =	sor.u32 $0x40, s20  }
0x3d: {  	v1 =	vmov s21;
	_ =	sdelay $0x1  }
0x3e: {  	_ =	swait.ge [sflag:s5], $0x4000  }
0x3f: {  	[sflag:s5] =	ssyncset.done $0x0  }
0x40: {  	s22 =	simm.s32 $0x0;
	[sflag:s5] =	ssyncadd.s32 $0xFFFFC000  }
0x41: {  	s20 =	sor.u32 $0x8070, s20;
	v7 =	vld.idx.msk [tilespmem:v1+s22+$0x30 ss:$0x1], $0xffff  }
0x42: {  	v0 =	vmov s20;
	v8 =	vld.idx.msk [tilespmem:v1+s22+$0xFFFFFFC0 ss:$0x1], $0xffff  }
0x43: {  	v6 =	vld.idx.msk [tilespmem:v1+s22+$0xFFFFFFD0 ss:$0x1], $0xffff  }
0x44: {  	v4 =	vld.idx.msk [tilespmem:v1+s22+$0xFFFFFFE0 ss:$0x1], $0xffff  }
0x45: {  	v2 =	vld.idx.msk [tilespmem:v1+s22+$0xFFFFFFF0 ss:$0x1], $0xffff  }
0x46: {  	s31 =	sshll.u32 s15, $0xE;
	v3 =	vld.idx.msk [tilespmem:v1+s22+$0x0 ss:$0x1], $0xffff  }
0x47: {  	s20 =	sand.u32 $0x4000, s31;
	v5 =	vld.idx.msk [tilespmem:v1+s22+$0x10 ss:$0x1], $0xffff;
	[tilespmem:v0+s22+$0x0 ss:$0x1] =	vst.idx.msk $0xffff, v7  }
0x48: {  	s23 =	simm.s32 $0x400;
	s21 =	simm.s32 $0x80;
	s20 =	sor.u32 $0x8000, s20;
	[tilespmem:v0+s22+$0xFFFFFF90 ss:$0x1] =	vst.idx.msk $0xffff, v8;
	v7 =	vld.idx.msk [tilespmem:v1+s22+$0x20 ss:$0x1], $0xffff  }
.LBB1_3:
0x49: {  	p0 =	sne.s32 s23, $0xFE00;
	v8 =	vld.idx.msk [tilespmem:v1+s21+$0x30 ss:$0x1], $0xffff;
	[tilespmem:v0+s22+$0xFFFFFFA0 ss:$0x1] =	vst.idx.msk $0xffff, v6  }
0x4a: {  	v9 =	vld.idx.msk [tilespmem:v1+s21+$0xFFFFFFC0 ss:$0x1], $0xffff;
	[tilespmem:v0+s22+$0xFFFFFFB0 ss:$0x1] =	vst.idx.msk $0xffff, v4  }
0x4b: {  	v6 =	vld.idx.msk [tilespmem:v1+s21+$0xFFFFFFD0 ss:$0x1], $0xffff;
	[tilespmem:v0+s22+$0xFFFFFFC0 ss:$0x1] =	vst.idx.msk $0xffff, v2  }
.Ltmp3:
0x4c: {  	v4 =	vld.idx.msk [tilespmem:v1+s21+$0xFFFFFFE0 ss:$0x1], $0xffff;
	[tilespmem:v0+s22+$0xFFFFFFD0 ss:$0x1] =	vst.idx.msk $0xffff, v3;
	(pc) =	sbr.rel @p0 .LBB1_3-.Ltmp3, $4  }
0x4d: {  	v2 =	vld.idx.msk [tilespmem:v1+s21+$0xFFFFFFF0 ss:$0x1], $0xffff;
	[tilespmem:v0+s22+$0xFFFFFFE0 ss:$0x1] =	vst.idx.msk $0xffff, v5  }
0x4e: {  	v3 =	vld.idx.msk [tilespmem:v1+s21+$0x0 ss:$0x1], $0xffff;
	[tilespmem:v0+s22+$0xFFFFFFF0 ss:$0x1] =	vst.idx.msk $0xffff, v7;
	s22 =	smov.u32 s21  }
0x4f: {  	v5 =	vld.idx.msk [tilespmem:v1+s22+$0x10 ss:$0x1], $0xffff;
	[tilespmem:v0+s22+$0x0 ss:$0x1] =	vst.idx.msk $0xffff, v8  }
0x50: {  	s21 =	sshra.s32 s23, $0x2;
	s23 =	sadd.s32 $0x200, s23;
	[tilespmem:v0+s22+$0xFFFFFF90 ss:$0x1] =	vst.idx.msk $0xffff, v9;
	v7 =	vld.idx.msk [tilespmem:v1+s22+$0x20 ss:$0x1], $0xffff  }
.Ltmp4:
0x51: {  	_ = 	snop;
	(pc) =	sbr.rel .LBB1_4-.Ltmp4, $1  }
0x52: {  	_ =	sdelay $0x3  }
.LBB1_6:
0x53: {  	_ =	sfence.sel $0x180000  }
0x54: {  	s2 =	simm.s32 $0x1;
	[bflag:$0x0] =	sbarrier.arrive $0xFFFF  }
0x55: {  	s31 =	simm.s32 $0x2;
	[sflag:s2] =	ssyncpa.u1 $0x1  }
0x56: {  	[sflag:s31] =	ssyncpa.u1 $0x1  }
0x57: {  	p0 =	sne.s32 s0, $0x0;
	_ =	strace $0x90000047  }
0x58: {  	s0 =	sadd.s32 @!p0 $0x100000, s1;
	[bflag:$0x2] =	sbarrier.arrive $0xFFFF  }
0x59: {  	[sflag:s0] =	ssyncadd.tile.s32 @!p0 $0x1;
	_ =	shalt  }
.Lfunc_end1:
_tile_overlayer_lowered:
.L_overlay_start_2:
0x5a: {  	(tag) =	ssettag $0x2  }
0x5b: {  	s0 =	rddreg [dreg:$0x0];
	s2 =	stileid.u32  }
0x5c: {  	s1 =	rddreg [dreg:$0x1];
	p0 =	sne.s32 s2, $0x0  }
0x5d: {  	s3 =	rddreg [dreg:$0x2];
	[bflag:$0x3] =	sbarrier.arrive $0xFFFF;
	s2 =	simm.s32 @!p0 $0x1C01  }
0x5e: {  	[timem:s3], [sflag:s2] =	dma.local @!p0 [hbm:s0], s1  }
0x5f: {  	s0 =	simm.s32 @!p0 $0x1  }
0x60: {  	_ =	swait.ge @!p0 [sflag:s0], s1  }
0x61: {  	s1 =	ssub.s32 @!p0 $0x0, s1;
	[sflag:s0] =	ssyncset.done @!p0 $0x0  }
0x62: {  	[sflag:s0] =	ssyncadd.s32 @!p0 s1  }
0x63: {  	[bflag:$0x3] =	sbarrier.arrive $0xFFFF  }
0x64: {  	_ =	shalt  }

// kernel: sparse-core-data-format-call.cloned.1.call-start
scs
called_computation_lowered:
.L_overlay_start_0:
0x0: {  	s2 =	sld [smem:$0x3FD9]  }
0x1: {  	s3 =	sld [smem:$0x3FFE];
	_ =	sdelay $0x1  }
0x2: {  	s1 =	srdreg.scid  }
0x3: {  	s0 =	sand.u32 $0x1, s1  }
0x4: {  	s15 =	sshll.u32 s0, $0xA;
	s2 =	sadd.s32 s3, s2  }
0x5: {  	s2 =	sadd.s32 s2, s15  }
0x6: {  	[smem:$0x3FB9] =	sst s2  }
0x7: {  	_ = 	snop  }
0x8: {  	s2 =	sld [smem:$0x3FD0];
	_ =	sdelay $0x2  }
0x9: {  	s16 =	simm.s32 $0xB;
	s4 =	simm.s32 $0x10  }
0xa: {  	[smem:s4], [sflag:s16] =	dma.local [hbm:s2], $0x1  }
0xb: {  	_ =	swait.eq [sflag:s16], $0x1  }
0xc: {  	[sflag:s16] =	ssyncset.done $0x0  }
0xd: {  	[sflag:s16] =	ssyncadd.s32 $0xFFFFFFFF  }
0xe: {  	s17 =	sld [smem:$0x11];
	(tm) =	ssettm $0x1  }
0xf: {  	s18 =	sld [smem:$0x3FFB];
	_ =	sdelay $0x3  }
0x10: {  	_ =	strace s18  }
0x11: {  	s3 =	sld [smem:$0x3FFC];
	_ =	sdelay $0x3  }
0x12: {  	_ =	strace s3  }
0x13: {  	s3 =	sld [smem:$0x3FFD];
	_ =	sdelay $0x3  }
0x14: {  	_ =	strace s3  }
0x15: {  	_ =	strace $0x8FFFFFFF  }
0x16: {  	s19 =	sld [smem:$0x3FDB];
	_ =	sdelay $0x1  }
0x17: {  	s20 =	simm.s32 $_scs_section_size  }
0x18: {  	s5 =	simm.s32 $_size__tile_overlayer_lowered;
	s6 =	simm.s32 $_tile_overlayer_lowered  }
0x19: {  	s23 =	simm.s32 $0x1BFF;
	s22 =	sshll.u32 s6, $0x1;
	s3 =	sadd.s32 s20, s19  }
0x1a: {  	s7 =	simm.s32 $0x0;
	s21 =	sshll.u32 s5, $0x1;
	s5 =	sadd.s32 s22, s3  }
0x1b: {  	[timem:s7], [sflag:s23] =	dma.local [hbm:s5], s21  }
0x1c: {  	_ =	swait.ge [sflag:s23], s21  }
0x1d: {  	s4 =	ssub.s32 $0x0, s21;
	[sflag:s23] =	ssyncset.done $0x0  }
0x1e: {  	[sflag:s23] =	ssyncadd.s32 s4;
	_ =	sdelay $0x1  }
0x1f: {  	s24 =	simm.s32 $0x1B8B  }
0x20: {  	_ =	swait.ge [sflag:s24], $0x1  }
0x21: {  	[sflag:s24] =	ssyncset.done $0x0  }
0x22: {  	s26 =	simm.s32 $0x1B8E;
	s25 =	sld [smem:$0x3FFE];
	[sflag:s24] =	ssyncadd.s32 $0xFFFFFFFF  }
0x23: {  	s27 =	simm.s32 $execute0_lowered;
	[smem:$0x3FD2] =	sst s26  }
0x24: {  	s5 =	sshll.u32 s27, $0x1;
	_ =	strace $0x8000004C;
	[dreg:$0x1] =	wrdreg $0xFFFFFFFF  }
0x25: {  	s28 =	simm.s32 $_size_execute0_lowered;
	s3 =	sadd.s32 s3, s5;
	[dreg:$0x0] =	wrdreg $0x0  }
0x26: {  	s5 =	sshll.u32 s28, $0x1;
	[dreg:$0x2] =	wrdreg s3  }
0x27: {  	[dreg:$0x3] =	wrdreg s5  }
0x28: {  	[dreg:$0x4] =	wrdreg $0xC0  }
0x29: {  	_ =	task [dreg:s7], $0x5FFFF  }
0x2a: {  	[dreg:$0x1] =	wrdreg $0xFFFFFFFF  }
0x2b: {  	[dreg:$0x0] =	wrdreg $0x60  }
0x2c: {  	[dreg:$0x2] =	wrdreg s25  }
0x2d: {  	[dreg:$0x3] =	wrdreg s17  }
0x2e: {  	[dreg:$0x4] =	wrdreg $0x9  }
0x2f: {  	_ =	task.clear_ibuf [dreg:s7], $0x5FFFF;
	_ =	strace $0x9000004C  }
0x30: {  	s29 =	simm.s32 $0x9;
	_ =	strace $0x8000004E  }
0x31: {  	_ =	swait.ge [sflag:s29], $0x1  }
0x32: {  	[sflag:s29] =	ssyncadd.s32 $0xFFFFFFFF  }
0x33: {  	_ =	strace $0x9000004E  }
0x34: {  	_ =	sfence  }
0x35: {  	s30 =	sld [smem:$0x0];
	_ =	sdelay $0x2  }
0x36: {  	s31 =	sshll.u32 s1, $0xD;
	s1 =	sshrl.u32 s1, $0x2  }
0x37: {  	s3 =	sand.u32 $0x4000, s31;
	s1 =	sadd.s32 s1, s30  }
0x38: {  	s0 =	sor.u32 s3, s0;
	s1 =	sshll.u32 s1, $0x11  }
0x39: {  	s0 =	sor.u32 s1, s0  }
0x3a: {  	s0 =	sadd.s32 $0x8F2B, s0  }
0x3b: {  	[sflag:s0] =	ssyncadd.remote.s32 $0x1  }
0x3c: {  	_ =	sfence.sel $0xFFFF  }
0x3d: {  	[dreg:$0x0] =	wrdreg $0xFFFFFFFF;
	(pc) =	sbr.abs _section_cstart, $3  }
0x3e: {  	[dreg:$0x1] =	wrdreg $0xFFFFFFFF  }
0x3f: {  	_ =	task.clear_ibuf [dreg:s7], $0x2FFFF;
	_ =	strace $0x9FFFFFFF  }
0x40: {  	(tm) =	ssettm $0x7FFFFFFF  }
0x41: {  	_ =	shalt  }
tec
execute0_lowered:
.L_overlay_start_1:
0x0: {  	(tag) =	ssettag $0x1  }
0x1: {  	s0 =	srdreg.scid  }
0x2: {  	s6 =	rddreg [dreg:$0x0];
	s1 =	sshll.u32 s0, $0x4  }
0x3: {  	s4 =	simm.s32 $0x1;
	s0 =	stileid.u32;
	s1 =	sand.u32 $0x10, s1  }
0x4: {  	s31 =	simm.s32 $0x2;
	s15 =	simm.s32 $0x0;
	s1 =	sor.u32 s0, s1  }
0x5: {  	s8 =	simm.s32 $0x40000;
	s9 =	simm.s32 $0x0;
	s2 =	sshll.u32 s1, $0x3  }
0x6: {  	s16 =	simm.s32 $0x0;
	s18 =	simm.s32 $0x0;
	s1 =	ssub.s32 $0x200, s2  }
0x7: {  	s17 =	simm.s32 $0x0;
	s10 =	simm.s32 $0x0;
	s3 =	sand.u32 $0xF8, s1  }
0x8: {  	s11 =	simm.s32 $0x0;
	s13 =	simm.s32 $0x0;
	p0 =	sne.s32 s3, $0x0  }
.Ltmp0:
0x9: {  	s1 =	sshrl.u32 s1, $0x8;
	s4 =	simm.s32 @!p0 $0x0;
	(pc) =	sbr.rel .LBB1_1-.Ltmp0, $4  }
0xa: {  	s14 =	simm.s32 $0x0;
	s3 =	rddreg [dreg:$0x1];
	s1 =	sadd.s32 s4, s1  }
0xb: {  	_ =	strace $0x8000004D;
	s4 =	simm.s32 $0x1;
	s5 =	smul.u32 $0x18, s1  }
0xc: {  	s24 =	simm.s32 $0x0;
	s6 =	sadd.s32 $0x3400, s6;
	[sflag:s4] =	ssyncpa.u1 $0x0  }
0xd: {  	s12 =	smov.u32 s2;
	[sflag:s31] =	ssyncpa.u1 $0x0;
	s7 =	sor.u32 $0x1, s5  }
.LBB1_7:
0xe: {  	s1 =	sadd.s32 $0x100, s10  }
0xf: {  	s15 =	sadd.s32 $0x8, s11;
	s19 =	smov.u32 s11;
	p1 =	sgt.s32 s1, $0x1FF  }
0x10: {  	s19 =	smov.u32 @p1 s15  }
0x11: {  	s20 =	smov.u32 s12;
	s15 =	sadd.s32 $0x100, s12;
	p2 =	sgt.s32 s19, $0x7  }
0x12: {  	s20 =	smov.u32 @p2 s15  }
0x13: {  	s15 =	simm.s32 $0x1;
	p3 =	sgt.s32 s20, $0x1FF  }
0x14: {  	s15 =	simm.s32 @!p3 $0x0  }
0x15: {  	p0 =	slt.u32 s14, $0x2;
	s22 =	sadd.s32 s15, s13  }
0x16: {  	s16 =	smov.u32 s11;
	s1 =	simm.s32 @p1 $0x0;
	p1 =	sgt.s32 s22, $0xB  }
0x17: {  	s21 =	simm.s32 @!p0 $0x2;
	s22 =	simm.s32 @p1 $0x0;
	p1 =	sne.s32 s14, s7  }
.Ltmp1:
0x18: {  	s18 =	smov.u32 s12;
	_ =	swait.ge @!p0 [sflag:s21], $0x4000;
	(pc) =	sbr.rel @!p1 .LBB1_8-.Ltmp1, $4  }
0x19: {  	s17 =	smov.u32 s13;
	[sflag:s21] =	ssyncset.done @!p0 $0x0;
	s19 =	simm.s32 @p2 $0x0  }
0x1a: {  	s9 =	sadd.s32 $0x4000, s9;
	[sflag:s21] =	ssyncadd.s32 @!p0 $0xFFFFC000;
	s11 =	smov.u32 s19  }
0x1b: {  	s20 =	smov.u32 @p3 s2;
	s15 =	smov.u32 s10;
	s10 =	smov.u32 s1  }
0x1c: {  	s12 =	smov.u32 s20;
	s14 =	sadd.s32 $0x1, s14;
	s13 =	smov.u32 s22  }
.LBB1_1:
0x1d: {  	p0 =	sge.u32 s14, s5  }
0x1e: {  	s31 =	sadd.s32 $0xFFFFFFFF, s14;
	s1 =	sxor.u32 @!p0 $0xFFFFFFFF, s14;
	s19 =	sshll.u32 @!p0 s10, $0x3  }
0x1f: {  	s20 =	sshll.u32 @!p0 s11, $0x7;
	s21 =	sand.u32 @!p0 $0x78, s10;
	s22 =	sshll.u32 @!p0 s13, $0x12  }
0x20: {  	s23 =	sshll.u32 @!p0 s12, $0x9;
	s1 =	sshll.u32 @!p0 s1, $0xE;
	s20 =	sand.u32 @!p0 $0x380, s20  }
0x21: {  	s19 =	sand.u32 @!p0 $0xC00, s19;
	s1 =	sand.u32 @!p0 $0x4000, s1;
	s20 =	sor.u32 @!p0 s21, s20  }
0x22: {  	s21 =	sand.u32 @!p0 $0x7, s10;
	s19 =	sor.u32 @!p0 s19, s20;
	s20 =	sadd.s32 @!p0 s6, s22  }
0x23: {  	s21 =	sshll.u32 @!p0 s21, $0x12;
	s19 =	sshrl.u32 @!p0 s19, $0x3;
	s20 =	sadd.s32 @!p0 s23, s20  }
0x24: {  	s19 =	sadd.s32 @!p0 s19, s20;
	s20 =	sor.u32 @!p0 $0x800, s21;
	s21 =	simm.s32 @!p0 $0x1000  }
0x25: {  	[tilespmem:s1], [sflag:$0x1] =	stream.strided.gather @!p0 [hbm4b:s19+s20], $0x4000, s21, s20, $0x38;
	[tilespmem:$0x10000] =	vst v63  }
0x26: {  	p0 =	sge.u32 s31, s5  }
.Ltmp2:
0x27: {  	_ = 	snop;
	(pc) =	sbr.rel @p0 .LBB1_7-.Ltmp2, $1  }
0x28: {  	_ =	sdelay $0x3  }
0x29: {  	s1 =	sshll.u32 s9, $0x2;
	_ =	swait.ge [sflag:s4], $0x4000;
	s19 =	sshll.u32 s14, $0xE  }
0x2a: {  	p0 =	por $0x0, $0x0;
	s25 =	simm.s32 $0x0;
	s26 =	simm.s32 $0x0  }
0x2b: {  	s1 =	sand.u32 $0x10000, s1;
	[sflag:s4] =	ssyncset.done $0x0;
	s22 =	sand.u32 $0x4000, s19  }
0x2c: {  	s1 =	sshrl.u32 s1, $0x2;
	[sflag:s4] =	ssyncadd.s32 $0xFFFFC000;
	s19 =	sor.u32 $0x8000, s22  }
0x2d: {  	s20 =	sor.u32 $0x40, s1;
	s21 =	sor.u32 $0x8410, s1;
	s23 =	sadd.s32 $0x8400, s1  }
.LBB1_3:
0x2e: {  	v1 =	vld [tilespmem:s20+$0xFFFFFFD0]  }
0x2f: {  	v2 =	vld [tilespmem:s20+$0x430]  }
0x30: {  	s1 =	sshll.u32 s26, $0xB;
	v4 =	vld [tilespmem:s20+$0xFFFFFFE0]  }
0x31: {  	v7 =	vld [tilespmem:s20+$0xFFFFFFF0];
	v0 =	vmov s1  }
0x32: {  	v8 =	vld [tilespmem:s20+$0x0]  }
0x33: {  	v9 =	vld [tilespmem:s20+$0x10];
	s1 =	sand.u32 $0x300, s24  }
0x34: {  	s27 =	sand.u32 $0x80, s24;
	v10 =	vld [tilespmem:s20+$0x20];
	s1 =	sadd.s32 s1, s22  }
0x35: {  	v11 =	vld [tilespmem:s20+$0x30];
	s1 =	sadd.s32 s27, s1;
	s27 =	simm.s32 $0x1;
	[tilespmem:s21+$0x60] =	vst v2  }
0x36: {  	s27 =	simm.s32 @!p0 $0x0;
	[tilespmem:s21+$0xFFFFFC00] =	vst v1;
	v3 =	vld.idx.msk [tilespmem:v0+s1+$0x400 ss:$0x1], $0xffff;
	s1 =	sshll.u32 s25, $0x2  }
0x37: {  	v6 =	vld [tilespmem:s20+$0x3D0];
	s27 =	sshll.u32 s27, $0x9;
	[tilespmem:s21+$0xFFFFFC10] =	vst v4;
	s1 =	sand.u32 $0xFFFFFC00, s1  }
0x38: {  	v5 =	vld [tilespmem:s20+$0x3E0];
	[tilespmem:s21+$0xFFFFFC20] =	vst v7;
	s1 =	sor.u32 s27, s1  }
0x39: {  	[tilespmem:s21+$0xFFFFFC30] =	vst v8;
	v4 =	vld [tilespmem:s20+$0x400];
	s1 =	sshrl.u32 s1, $0x2  }
0x3a: {  	[tilespmem:s21+$0xFFFFFC40] =	vst v9;
	v1 =	vld [tilespmem:s20+$0x410];
	s27 =	sadd.s32 s1, s23  }
0x3b: {  	[tilespmem:s27+$0x0] =	vst v3;
	v3 =	vld [tilespmem:s20+$0x3F0]  }
0x3c: {  	s31 =	simm.s32 $0x80;
	s30 =	simm.s32 $0x100;
	[tilespmem:s21+$0xFFFFFC50] =	vst v10;
	v2 =	vld [tilespmem:s20+$0x420]  }
0x3d: {  	s28 =	sadd.s32 $0x80, s20;
	s29 =	smov.u32 s21;
	v7 =	vld [tilespmem:s20+$0xFFFFFFC0];
	[tilespmem:s21+$0xFFFFFC60] =	vst v11;
	s1 =	sand.u32 $0x300, s31  }
.LBB1_4:
0x3e: {  	p1 =	sne.s32 s30, $0x380;
	v8 =	vld [tilespmem:s28+$0xFFFFFFD0];
	s31 =	sand.u32 $0x80, s31;
	s1 =	sadd.s32 s1, s22;
	[tilespmem:s29+$0x0] =	vst v6  }
0x3f: {  	s1 =	sadd.s32 s31, s1;
	v6 =	vld [tilespmem:s28+$0x430];
	[tilespmem:s29+$0x10] =	vst v5;
	s31 =	smov.u32 s30  }
0x40: {  	v5 =	vld.idx.msk [tilespmem:v0+s1+$0x400 ss:$0x1], $0xffff;
	[tilespmem:s29+$0x20] =	vst v3  }
0x41: {  	v3 =	vld [tilespmem:s28+$0xFFFFFFE0];
	[tilespmem:s29+$0x30] =	vst v4  }
0x42: {  	v4 =	vld [tilespmem:s28+$0xFFFFFFF0];
	[tilespmem:s29+$0xFFFFFBF0] =	vst v7  }
0x43: {  	v7 =	vld [tilespmem:s28+$0x0];
	[tilespmem:s29+$0x40] =	vst v1  }
0x44: {  	v1 =	vld [tilespmem:s28+$0x10];
	[tilespmem:s29+$0x50] =	vst v2;
	s29 =	sadd.s32 $0x800, s29  }
0x45: {  	s27 =	sadd.s32 $0x800, s27;
	v2 =	vld [tilespmem:s28+$0x20];
	[tilespmem:s29+$0x60] =	vst v6  }
0x46: {  	v9 =	vld [tilespmem:s28+$0x30];
	[tilespmem:s27+$0x0] =	vst v5  }
0x47: {  	[tilespmem:s29+$0xFFFFFC00] =	vst v8;
	v6 =	vld [tilespmem:s28+$0x3D0]  }
0x48: {  	[tilespmem:s29+$0xFFFFFC10] =	vst v3;
	v5 =	vld [tilespmem:s28+$0x3E0]  }
.Ltmp3:
0x49: {  	[tilespmem:s29+$0xFFFFFC20] =	vst v4;
	v3 =	vld [tilespmem:s28+$0x3F0];
	(pc) =	sbr.rel @p1 .LBB1_4-.Ltmp3, $4  }
0x4a: {  	[tilespmem:s29+$0xFFFFFC30] =	vst v7;
	v4 =	vld [tilespmem:s28+$0x400]  }
0x4b: {  	[tilespmem:s29+$0xFFFFFC40] =	vst v1;
	v1 =	vld [tilespmem:s28+$0x410]  }
0x4c: {  	[tilespmem:s29+$0xFFFFFC50] =	vst v2;
	v2 =	vld [tilespmem:s28+$0x420]  }
0x4d: {  	s30 =	sadd.s32 $0x80, s30;
	s1 =	sand.u32 $0x300, s31;
	v7 =	vld [tilespmem:s28+$0xFFFFFFC0];
	[tilespmem:s29+$0xFFFFFC60] =	vst v9;
	s28 =	sadd.s32 $0x80, s28  }
0x4e: {  	[tilespmem:s29+$0x0] =	vst v6  }
0x4f: {  	[tilespmem:s29+$0x10] =	vst v5  }
0x50: {  	v49 =	vld [tilespmem:s28+$0x430];
	[tilespmem:s29+$0x20] =	vst v3  }
0x51: {  	v50 =	vld [tilespmem:s28+$0xFFFFFFD0];
	[tilespmem:s29+$0x30] =	vst v4  }
0x52: {  	v51 =	vld [tilespmem:s28+$0xFFFFFFE0];
	[tilespmem:s29+$0x40] =	vst v1  }
0x53: {  	v52 =	vld [tilespmem:s28+$0xFFFFFFF0];
	[tilespmem:s29+$0x50] =	vst v2  }
0x54: {  	s30 =	sand.u32 $0x80, s31;
	s31 =	sadd.s32 $0x800, s29;
	v53 =	vld [tilespmem:s28+$0x0];
	[tilespmem:s29+$0xFFFFFBF0] =	vst v7  }
0x55: {  	v54 =	vld [tilespmem:s28+$0x10];
	[tilespmem:s31+$0x60] =	vst v49  }
0x56: {  	v55 =	vld [tilespmem:s28+$0x20];
	[tilespmem:s31+$0xFFFFFC00] =	vst v50  }
0x57: {  	v56 =	vld [tilespmem:s28+$0x30];
	[tilespmem:s31+$0xFFFFFC10] =	vst v51  }
0x58: {  	v57 =	vld [tilespmem:s28+$0x3D0];
	[tilespmem:s31+$0xFFFFFC20] =	vst v52  }
0x59: {  	v58 =	vld [tilespmem:s28+$0x3E0];
	[tilespmem:s31+$0xFFFFFC30] =	vst v53  }
0x5a: {  	v59 =	vld [tilespmem:s28+$0x3F0];
	[tilespmem:s31+$0xFFFFFC40] =	vst v54  }
0x5b: {  	v60 =	vld [tilespmem:s28+$0x400];
	[tilespmem:s31+$0xFFFFFC50] =	vst v55  }
0x5c: {  	v61 =	vld [tilespmem:s28+$0xFFFFFFC0];
	[tilespmem:s31+$0xFFFFFC60] =	vst v56  }
0x5d: {  	s1 =	sadd.s32 s1, s22;
	v62 =	vld [tilespmem:s28+$0x410];
	[tilespmem:s31+$0x0] =	vst v57  }
0x5e: {  	v63 =	vld [tilespmem:s28+$0x420];
	s26 =	sadd.s32 $0x1, s26;
	s1 =	sadd.s32 s30, s1;
	[tilespmem:s31+$0x10] =	vst v58  }
0x5f: {  	p1 =	sne.s32 s26, $0x8;
	v0 =	vld.idx.msk [tilespmem:v0+s1+$0x400 ss:$0x1], $0xffff;
	[tilespmem:s31+$0x20] =	vst v59  }
.Ltmp4:
0x60: {  	[tilespmem:s31+$0x30] =	vst v60;
	(pc) =	sbr.rel @p1 .LBB1_3-.Ltmp4, $4  }
0x61: {  	[tilespmem:s31+$0xFFFFFBF0] =	vst v61  }
0x62: {  	[tilespmem:s31+$0x40] =	vst v62  }
0x63: {  	s27 =	sadd.s32 $0x800, s27;
	s20 =	sadd.s32 $0x800, s20;
	[tilespmem:s31+$0x50] =	vst v63  }
0x64: {  	s25 =	sadd.s32 $0x80, s25;
	p0 =	por !p0, !p0;
	s21 =	sadd.s32 $0x80, s21;
	[tilespmem:s27+$0x0] =	vst v0  }
0x65: {  	s1 =	sand.u32 $0x78, s15  }
0x66: {  	s20 =	sshll.u32 s18, $0x9;
	s21 =	sshll.u32 s15, $0x3;
	s27 =	sshll.u32 s18, $0x7  }
0x67: {  	s17 =	sshll.u32 s17, $0x12;
	s16 =	sshll.u32 s16, $0xF;
	s30 =	sand.u32 $0x7, s15  }
0x68: {  	s20 =	sand.u32 $0x3F000, s20;
	s21 =	sand.u32 $0x3FC00, s21;
	s28 =	sand.u32 $0x200, s27  }
0x69: {  	s18 =	sand.u32 $0x180, s27;
	s17 =	sadd.s32 s3, s17;
	s20 =	sadd.s32 s20, s21  }
.Ltmp5:
0x6a: {  	s1 =	sor.u32 s18, s1;
	s20 =	sor.u32 s28, s20;
	(pc) =	sbr.rel .LBB1_7-.Ltmp5, $4  }
0x6b: {  	s16 =	sadd.s32 s16, s17;
	s1 =	sshrl.u32 s1, $0x3;
	s29 =	sshrl.u32 s20, $0x3  }
0x6c: {  	s15 =	sshll.u32 s30, $0x12;
	s1 =	sadd.s32 s1, s16;
	s31 =	sand.u32 $0x7FC0, s29  }
0x6d: {  	s15 =	sor.u32 $0x800, s15;
	s1 =	sadd.s32 s31, s1  }
0x6e: {  	[hbm4b:s1+s15] =	stream.strided.scatter [tilespmem:s19], [sflag:$0x2], $0x4000, s8, s15, $0x38;
	[tilespmem:$0x10000] =	vst v63  }
.LBB1_8:
0x6f: {  	_ =	sfence.sel $0x180000  }
0x70: {  	s1 =	simm.s32 $0x1;
	[bflag:$0x0] =	sbarrier.arrive $0xFFFF  }
0x71: {  	s31 =	simm.s32 $0x2;
	[sflag:s1] =	ssyncpa.u1 $0x1  }
0x72: {  	[sflag:s31] =	ssyncpa.u1 $0x1  }
0x73: {  	_ =	strace $0x9000004D  }
0x74: {  	[bflag:$0x2] =	sbarrier.arrive $0xFFFF  }
0x75: {  	p0 =	sne.s32 s0, $0x0;
	s0 =	rddreg [dreg:$0x2]  }
0x76: {  	s0 =	sadd.s32 @!p0 $0x100000, s0  }
0x77: {  	[sflag:s0] =	ssyncadd.tile.s32 @!p0 $0x1;
	_ =	shalt  }
.Lfunc_end1:
_tile_overlayer_lowered:
.L_overlay_start_2:
0x78: {  	(tag) =	ssettag $0x2  }
0x79: {  	s0 =	rddreg [dreg:$0x0];
	s2 =	stileid.u32  }
0x7a: {  	s1 =	rddreg [dreg:$0x1];
	p0 =	sne.s32 s2, $0x0  }
0x7b: {  	s3 =	rddreg [dreg:$0x2];
	[bflag:$0x3] =	sbarrier.arrive $0xFFFF;
	s2 =	simm.s32 @!p0 $0x1C01  }
0x7c: {  	[timem:s3], [sflag:s2] =	dma.local @!p0 [hbm:s0], s1  }
0x7d: {  	s0 =	simm.s32 @!p0 $0x1  }
0x7e: {  	_ =	swait.ge @!p0 [sflag:s0], s1  }
0x7f: {  	s1 =	ssub.s32 @!p0 $0x0, s1;
	[sflag:s0] =	ssyncset.done @!p0 $0x0  }
0x80: {  	[sflag:s0] =	ssyncadd.s32 @!p0 s1  }
0x81: {  	[bflag:$0x3] =	sbarrier.arrive $0xFFFF  }
0x82: {  	_ =	shalt  }

</sc_bundles>
